<compile_context>
chip_gen: v7x
topology: tpu7x:2x2x1
jax: 0.10.2.dev20260603
libtpu: 0.0.44.dev20260713+nightly
codegen_flags: <defaults>
</compile_context>

<pallas_src>
import functools
import jax
import jax.numpy as jnp
from jax import lax
from jax.experimental import pallas as pl
from jax.experimental.pallas import tpu as pltpu
from jax.experimental.pallas import tpu_sc as plsc

_N, _D = 1_000_000, 3
_NW = 32
_CHR = 1008
_NCH = 31
_RPW = _CHR * _NCH
_RTAIL_BASE = _NW * _RPW
_RTAIL = _N - _RTAIL_BASE


def _sc_body(x_hbm, u0_hbm, u2_hbm, out_hbm, buf, hb):
    wid = lax.axis_index("s") * 2 + lax.axis_index("c")
    base = wid * _RPW
    for k in range(_NCH):
        b = base + k * _CHR
        pltpu.sync_copy(x_hbm.at[pl.ds(b, _CHR)], buf)
        pltpu.sync_copy(buf, out_hbm.at[pl.ds(b, _CHR)])

    @pl.when(wid == _NW - 1)
    def _():
        pltpu.sync_copy(
            x_hbm.at[pl.ds(_RTAIL_BASE, _RTAIL)], buf.at[pl.ds(0, _RTAIL)]
        )
        pltpu.sync_copy(
            buf.at[pl.ds(0, _RTAIL)], out_hbm.at[pl.ds(_RTAIL_BASE, _RTAIL)]
        )

    @pl.when(wid == 0)
    def _():
        pltpu.sync_copy(x_hbm.at[pl.ds(0, 8)], hb)
        pltpu.sync_copy(u0_hbm, hb.at[pl.ds(0, 1)])
        pltpu.sync_copy(u2_hbm, hb.at[pl.ds(2, 1)])
        pltpu.sync_copy(hb, out_hbm.at[pl.ds(0, 8)])


def kernel(x):
    u0 = jnp.array([[10.0, 11.0, 12.0]], dtype=jnp.float32)
    u2 = jnp.array([[20.0, 21.0, 22.0]], dtype=jnp.float32)
    mesh = plsc.VectorSubcoreMesh(core_axis_name="c", subcore_axis_name="s")
    k = functools.partial(
        pl.kernel,
        out_type=jax.ShapeDtypeStruct((_N, _D), jnp.float32),
        mesh=mesh,
        scratch_types=[
            pltpu.VMEM((_CHR, _D), jnp.float32),
            pltpu.VMEM((8, _D), jnp.float32),
        ],
    )(_sc_body)
    return k(x, u0, u2)

# --- scband reference (transcript-rebuilt; emitter-appended) ---
"""Pipeline reference for scband-scatter-ndtest-model-7550552506555 (READ-ONLY COPY).

The authoritative reference and input builder live on the scoring server;
editing this copy changes nothing except your own understanding.
"""

import jax, jax.numpy as jnp
import numpy as np


def setup_inputs(seed: int = 0) -> dict:
    key = jax.random.key(seed)
    x = jax.random.normal(key, (1000000, 3), dtype=jnp.float32)
    return {"x": x}


def reference(x):
    # Faithful translation of ScatterNDTestModel.forward:
    #   indices = [0, 2]; updates = [[10,11,12],[20,21,22]]
    #   result = x.clone(); result[indices] = updates
    indices = jnp.array([0, 2], dtype=jnp.int32)
    updates = jnp.array([[10.0, 11.0, 12.0], [20.0, 21.0, 22.0]], dtype=x.dtype)
    # .at[].set is a scatter-overwrite, equivalent to index_put / ScatterND.
    result = x.at[indices].set(updates)
    return result

if __name__ == "__main__":
    import jax
    _d = setup_inputs()
    print(jax.jit(kernel)(*tuple(_d.values())))

</pallas_src>

<mosaic_0001>
#map = affine_map<(d0, d1) -> (0, 0)>
module attributes {stable_mosaic.version = 14 : i64} {
  func.func @_sc_body(%arg0: i32, %arg1: i32, %arg2: memref<1000000x3xf32, #tpu.memory_space<hbm>>, %arg3: memref<1x3xf32, #tpu.memory_space<hbm>>, %arg4: memref<1x3xf32, #tpu.memory_space<hbm>>, %arg5: memref<1000000x3xf32, #tpu.memory_space<hbm>>, %arg6: memref<1008x3xf32, #tpu.memory_space<vmem>>, %arg7: memref<8x3xf32, #tpu.memory_space<vmem>>) attributes {dimension_semantics = [#tpu.dimension_semantics<core_parallel>, #tpu.dimension_semantics<subcore_parallel>], iteration_bounds = array<i64: 2, 16>, scalar_prefetch = 0 : i64, scratch_operands = 2 : i64, tpu.core_type = #tpu.core_type<sc_vector_subcore>, window_params = [{transform_indices = #map}, {transform_indices = #map}, {transform_indices = #map}, {transform_indices = #map}]} {
    %mul3A = arith.constant 2 : i32
    %mul3A_0 = arith.muli %arg1, %mul3A : i32
    %add3A = arith.addi %mul3A_0, %arg0 : i32
    %mul3A_1 = arith.constant 31248 : i32
    %mul3A_2 = arith.muli %add3A, %mul3A_1 : i32
    %add3A_3 = arith.constant 0 : i32
    %add3A_4 = arith.addi %mul3A_2, %add3A_3 : i32
    "tpu.region"() ({
      %run_scoped3A = tpu.sem_alloc : memref<!tpu.dma_semaphore, #tpu.memory_space<semaphore_mem>>
      %dma_start3A = arith.constant 0 : i32
      %dma_start3A_72 = tpu.memref_slice %arg2[%add3A_4, %dma_start3A] : memref<1000000x3xf32, #tpu.memory_space<hbm>> -> memref<1008x3xf32, #tpu.memory_space<hbm>>
      %dma_start3A_73 = arith.constant 0 : i32
      %dma_start3A_74 = tpu.memref_slice %arg2[%add3A_4, %dma_start3A_73] : memref<1000000x3xf32, #tpu.memory_space<hbm>> -> memref<1008x3xf32, #tpu.memory_space<hbm>>
      tpu.enqueue_dma source(%dma_start3A_74 : memref<1008x3xf32, #tpu.memory_space<hbm>>) target(%arg6 : memref<1008x3xf32, #tpu.memory_space<vmem>>) target_semaphore(%run_scoped3A : memref<!tpu.dma_semaphore, #tpu.memory_space<semaphore_mem>>)
      %dma_wait3A = arith.constant 0 : i32
      %dma_wait3A_75 = tpu.memref_slice %arg2[%add3A_4, %dma_wait3A] : memref<1000000x3xf32, #tpu.memory_space<hbm>> -> memref<1008x3xf32, #tpu.memory_space<hbm>>
      %dma_wait3A_76 = arith.constant 0 : i32
      %dma_wait3A_77 = tpu.memref_slice %arg2[%add3A_4, %dma_wait3A_76] : memref<1000000x3xf32, #tpu.memory_space<hbm>> -> memref<1008x3xf32, #tpu.memory_space<hbm>>
      tpu.wait_dma2 semaphore(%run_scoped3A : memref<!tpu.dma_semaphore, #tpu.memory_space<semaphore_mem>>) src(%dma_wait3A_77 : memref<1008x3xf32, #tpu.memory_space<hbm>>) dst(%arg6 : memref<1008x3xf32, #tpu.memory_space<vmem>>)
      tpu.yield
    }) : () -> ()
    "tpu.region"() ({
      %run_scoped3A = tpu.sem_alloc : memref<!tpu.dma_semaphore, #tpu.memory_space<semaphore_mem>>
      %dma_start3A = arith.constant 0 : i32
      %dma_start3A_72 = tpu.memref_slice %arg5[%add3A_4, %dma_start3A] : memref<1000000x3xf32, #tpu.memory_space<hbm>> -> memref<1008x3xf32, #tpu.memory_space<hbm>>
      %dma_start3A_73 = arith.constant 0 : i32
      %dma_start3A_74 = tpu.memref_slice %arg5[%add3A_4, %dma_start3A_73] : memref<1000000x3xf32, #tpu.memory_space<hbm>> -> memref<1008x3xf32, #tpu.memory_space<hbm>>
      tpu.enqueue_dma source(%arg6 : memref<1008x3xf32, #tpu.memory_space<vmem>>) target(%dma_start3A_74 : memref<1008x3xf32, #tpu.memory_space<hbm>>) target_semaphore(%run_scoped3A : memref<!tpu.dma_semaphore, #tpu.memory_space<semaphore_mem>>)
      %dma_wait3A = arith.constant 0 : i32
      %dma_wait3A_75 = tpu.memref_slice %arg5[%add3A_4, %dma_wait3A] : memref<1000000x3xf32, #tpu.memory_space<hbm>> -> memref<1008x3xf32, #tpu.memory_space<hbm>>
      %dma_wait3A_76 = arith.constant 0 : i32
      %dma_wait3A_77 = tpu.memref_slice %arg5[%add3A_4, %dma_wait3A_76] : memref<1000000x3xf32, #tpu.memory_space<hbm>> -> memref<1008x3xf32, #tpu.memory_space<hbm>>
      tpu.wait_dma2 semaphore(%run_scoped3A : memref<!tpu.dma_semaphore, #tpu.memory_space<semaphore_mem>>) src(%arg6 : memref<1008x3xf32, #tpu.memory_space<vmem>>) dst(%dma_wait3A_77 : memref<1008x3xf32, #tpu.memory_space<hbm>>)
      tpu.yield
    }) : () -> ()
    %add3A_5 = arith.constant 1008 : i32
    %add3A_6 = arith.addi %mul3A_2, %add3A_5 : i32
    "tpu.region"() ({
      %run_scoped3A = tpu.sem_alloc : memref<!tpu.dma_semaphore, #tpu.memory_space<semaphore_mem>>
      %dma_start3A = arith.constant 0 : i32
      %dma_start3A_72 = tpu.memref_slice %arg2[%add3A_6, %dma_start3A] : memref<1000000x3xf32, #tpu.memory_space<hbm>> -> memref<1008x3xf32, #tpu.memory_space<hbm>>
      %dma_start3A_73 = arith.constant 0 : i32
      %dma_start3A_74 = tpu.memref_slice %arg2[%add3A_6, %dma_start3A_73] : memref<1000000x3xf32, #tpu.memory_space<hbm>> -> memref<1008x3xf32, #tpu.memory_space<hbm>>
      tpu.enqueue_dma source(%dma_start3A_74 : memref<1008x3xf32, #tpu.memory_space<hbm>>) target(%arg6 : memref<1008x3xf32, #tpu.memory_space<vmem>>) target_semaphore(%run_scoped3A : memref<!tpu.dma_semaphore, #tpu.memory_space<semaphore_mem>>)
      %dma_wait3A = arith.constant 0 : i32
      %dma_wait3A_75 = tpu.memref_slice %arg2[%add3A_6, %dma_wait3A] : memref<1000000x3xf32, #tpu.memory_space<hbm>> -> memref<1008x3xf32, #tpu.memory_space<hbm>>
      %dma_wait3A_76 = arith.constant 0 : i32
      %dma_wait3A_77 = tpu.memref_slice %arg2[%add3A_6, %dma_wait3A_76] : memref<1000000x3xf32, #tpu.memory_space<hbm>> -> memref<1008x3xf32, #tpu.memory_space<hbm>>
      tpu.wait_dma2 semaphore(%run_scoped3A : memref<!tpu.dma_semaphore, #tpu.memory_space<semaphore_mem>>) src(%dma_wait3A_77 : memref<1008x3xf32, #tpu.memory_space<hbm>>) dst(%arg6 : memref<1008x3xf32, #tpu.memory_space<vmem>>)
      tpu.yield
    }) : () -> ()
    "tpu.region"() ({
      %run_scoped3A = tpu.sem_alloc : memref<!tpu.dma_semaphore, #tpu.memory_space<semaphore_mem>>
      %dma_start3A = arith.constant 0 : i32
      %dma_start3A_72 = tpu.memref_slice %arg5[%add3A_6, %dma_start3A] : memref<1000000x3xf32, #tpu.memory_space<hbm>> -> memref<1008x3xf32, #tpu.memory_space<hbm>>
      %dma_start3A_73 = arith.constant 0 : i32
      %dma_start3A_74 = tpu.memref_slice %arg5[%add3A_6, %dma_start3A_73] : memref<1000000x3xf32, #tpu.memory_space<hbm>> -> memref<1008x3xf32, #tpu.memory_space<hbm>>
      tpu.enqueue_dma source(%arg6 : memref<1008x3xf32, #tpu.memory_space<vmem>>) target(%dma_start3A_74 : memref<1008x3xf32, #tpu.memory_space<hbm>>) target_semaphore(%run_scoped3A : memref<!tpu.dma_semaphore, #tpu.memory_space<semaphore_mem>>)
      %dma_wait3A = arith.constant 0 : i32
      %dma_wait3A_75 = tpu.memref_slice %arg5[%add3A_6, %dma_wait3A] : memref<1000000x3xf32, #tpu.memory_space<hbm>> -> memref<1008x3xf32, #tpu.memory_space<hbm>>
      %dma_wait3A_76 = arith.constant 0 : i32
      %dma_wait3A_77 = tpu.memref_slice %arg5[%add3A_6, %dma_wait3A_76] : memref<1000000x3xf32, #tpu.memory_space<hbm>> -> memref<1008x3xf32, #tpu.memory_space<hbm>>
      tpu.wait_dma2 semaphore(%run_scoped3A : memref<!tpu.dma_semaphore, #tpu.memory_space<semaphore_mem>>) src(%arg6 : memref<1008x3xf32, #tpu.memory_space<vmem>>) dst(%dma_wait3A_77 : memref<1008x3xf32, #tpu.memory_space<hbm>>)
      tpu.yield
    }) : () -> ()
    %add3A_7 = arith.constant 2016 : i32
    %add3A_8 = arith.addi %mul3A_2, %add3A_7 : i32
    "tpu.region"() ({
      %run_scoped3A = tpu.sem_alloc : memref<!tpu.dma_semaphore, #tpu.memory_space<semaphore_mem>>
      %dma_start3A = arith.constant 0 : i32
      %dma_start3A_72 = tpu.memref_slice %arg2[%add3A_8, %dma_start3A] : memref<1000000x3xf32, #tpu.memory_space<hbm>> -> memref<1008x3xf32, #tpu.memory_space<hbm>>
      %dma_start3A_73 = arith.constant 0 : i32
      %dma_start3A_74 = tpu.memref_slice %arg2[%add3A_8, %dma_start3A_73] : memref<1000000x3xf32, #tpu.memory_space<hbm>> -> memref<1008x3xf32, #tpu.memory_space<hbm>>
      tpu.enqueue_dma source(%dma_start3A_74 : memref<1008x3xf32, #tpu.memory_space<hbm>>) target(%arg6 : memref<1008x3xf32, #tpu.memory_space<vmem>>) target_semaphore(%run_scoped3A : memref<!tpu.dma_semaphore, #tpu.memory_space<semaphore_mem>>)
      %dma_wait3A = arith.constant 0 : i32
      %dma_wait3A_75 = tpu.memref_slice %arg2[%add3A_8, %dma_wait3A] : memref<1000000x3xf32, #tpu.memory_space<hbm>> -> memref<1008x3xf32, #tpu.memory_space<hbm>>
      %dma_wait3A_76 = arith.constant 0 : i32
      %dma_wait3A_77 = tpu.memref_slice %arg2[%add3A_8, %dma_wait3A_76] : memref<1000000x3xf32, #tpu.memory_space<hbm>> -> memref<1008x3xf32, #tpu.memory_space<hbm>>
      tpu.wait_dma2 semaphore(%run_scoped3A : memref<!tpu.dma_semaphore, #tpu.memory_space<semaphore_mem>>) src(%dma_wait3A_77 : memref<1008x3xf32, #tpu.memory_space<hbm>>) dst(%arg6 : memref<1008x3xf32, #tpu.memory_space<vmem>>)
      tpu.yield
    }) : () -> ()
    "tpu.region"() ({
      %run_scoped3A = tpu.sem_alloc : memref<!tpu.dma_semaphore, #tpu.memory_space<semaphore_mem>>
      %dma_start3A = arith.constant 0 : i32
      %dma_start3A_72 = tpu.memref_slice %arg5[%add3A_8, %dma_start3A] : memref<1000000x3xf32, #tpu.memory_space<hbm>> -> memref<1008x3xf32, #tpu.memory_space<hbm>>
      %dma_start3A_73 = arith.constant 0 : i32
      %dma_start3A_74 = tpu.memref_slice %arg5[%add3A_8, %dma_start3A_73] : memref<1000000x3xf32, #tpu.memory_space<hbm>> -> memref<1008x3xf32, #tpu.memory_space<hbm>>
      tpu.enqueue_dma source(%arg6 : memref<1008x3xf32, #tpu.memory_space<vmem>>) target(%dma_start3A_74 : memref<1008x3xf32, #tpu.memory_space<hbm>>) target_semaphore(%run_scoped3A : memref<!tpu.dma_semaphore, #tpu.memory_space<semaphore_mem>>)
      %dma_wait3A = arith.constant 0 : i32
      %dma_wait3A_75 = tpu.memref_slice %arg5[%add3A_8, %dma_wait3A] : memref<1000000x3xf32, #tpu.memory_space<hbm>> -> memref<1008x3xf32, #tpu.memory_space<hbm>>
      %dma_wait3A_76 = arith.constant 0 : i32
      %dma_wait3A_77 = tpu.memref_slice %arg5[%add3A_8, %dma_wait3A_76] : memref<1000000x3xf32, #tpu.memory_space<hbm>> -> memref<1008x3xf32, #tpu.memory_space<hbm>>
      tpu.wait_dma2 semaphore(%run_scoped3A : memref<!tpu.dma_semaphore, #tpu.memory_space<semaphore_mem>>) src(%arg6 : memref<1008x3xf32, #tpu.memory_space<vmem>>) dst(%dma_wait3A_77 : memref<1008x3xf32, #tpu.memory_space<hbm>>)
      tpu.yield
    }) : () -> ()
    %add3A_9 = arith.constant 3024 : i32
    %add3A_10 = arith.addi %mul3A_2, %add3A_9 : i32
    "tpu.region"() ({
      %run_scoped3A = tpu.sem_alloc : memref<!tpu.dma_semaphore, #tpu.memory_space<semaphore_mem>>
      %dma_start3A = arith.constant 0 : i32
      %dma_start3A_72 = tpu.memref_slice %arg2[%add3A_10, %dma_start3A] : memref<1000000x3xf32, #tpu.memory_space<hbm>> -> memref<1008x3xf32, #tpu.memory_space<hbm>>
      %dma_start3A_73 = arith.constant 0 : i32
      %dma_start3A_74 = tpu.memref_slice %arg2[%add3A_10, %dma_start3A_73] : memref<1000000x3xf32, #tpu.memory_space<hbm>> -> memref<1008x3xf32, #tpu.memory_space<hbm>>
      tpu.enqueue_dma source(%dma_start3A_74 : memref<1008x3xf32, #tpu.memory_space<hbm>>) target(%arg6 : memref<1008x3xf32, #tpu.memory_space<vmem>>) target_semaphore(%run_scoped3A : memref<!tpu.dma_semaphore, #tpu.memory_space<semaphore_mem>>)
      %dma_wait3A = arith.constant 0 : i32
      %dma_wait3A_75 = tpu.memref_slice %arg2[%add3A_10, %dma_wait3A] : memref<1000000x3xf32, #tpu.memory_space<hbm>> -> memref<1008x3xf32, #tpu.memory_space<hbm>>
      %dma_wait3A_76 = arith.constant 0 : i32
      %dma_wait3A_77 = tpu.memref_slice %arg2[%add3A_10, %dma_wait3A_76] : memref<1000000x3xf32, #tpu.memory_space<hbm>> -> memref<1008x3xf32, #tpu.memory_space<hbm>>
      tpu.wait_dma2 semaphore(%run_scoped3A : memref<!tpu.dma_semaphore, #tpu.memory_space<semaphore_mem>>) src(%dma_wait3A_77 : memref<1008x3xf32, #tpu.memory_space<hbm>>) dst(%arg6 : memref<1008x3xf32, #tpu.memory_space<vmem>>)
      tpu.yield
    }) : () -> ()
    "tpu.region"() ({
      %run_scoped3A = tpu.sem_alloc : memref<!tpu.dma_semaphore, #tpu.memory_space<semaphore_mem>>
      %dma_start3A = arith.constant 0 : i32
      %dma_start3A_72 = tpu.memref_slice %arg5[%add3A_10, %dma_start3A] : memref<1000000x3xf32, #tpu.memory_space<hbm>> -> memref<1008x3xf32, #tpu.memory_space<hbm>>
      %dma_start3A_73 = arith.constant 0 : i32
      %dma_start3A_74 = tpu.memref_slice %arg5[%add3A_10, %dma_start3A_73] : memref<1000000x3xf32, #tpu.memory_space<hbm>> -> memref<1008x3xf32, #tpu.memory_space<hbm>>
      tpu.enqueue_dma source(%arg6 : memref<1008x3xf32, #tpu.memory_space<vmem>>) target(%dma_start3A_74 : memref<1008x3xf32, #tpu.memory_space<hbm>>) target_semaphore(%run_scoped3A : memref<!tpu.dma_semaphore, #tpu.memory_space<semaphore_mem>>)
      %dma_wait3A = arith.constant 0 : i32
      %dma_wait3A_75 = tpu.memref_slice %arg5[%add3A_10, %dma_wait3A] : memref<1000000x3xf32, #tpu.memory_space<hbm>> -> memref<1008x3xf32, #tpu.memory_space<hbm>>
      %dma_wait3A_76 = arith.constant 0 : i32
      %dma_wait3A_77 = tpu.memref_slice %arg5[%add3A_10, %dma_wait3A_76] : memref<1000000x3xf32, #tpu.memory_space<hbm>> -> memref<1008x3xf32, #tpu.memory_space<hbm>>
      tpu.wait_dma2 semaphore(%run_scoped3A : memref<!tpu.dma_semaphore, #tpu.memory_space<semaphore_mem>>) src(%arg6 : memref<1008x3xf32, #tpu.memory_space<vmem>>) dst(%dma_wait3A_77 : memref<1008x3xf32, #tpu.memory_space<hbm>>)
      tpu.yield
    }) : () -> ()
    %add3A_11 = arith.constant 4032 : i32
    %add3A_12 = arith.addi %mul3A_2, %add3A_11 : i32
    "tpu.region"() ({
      %run_scoped3A = tpu.sem_alloc : memref<!tpu.dma_semaphore, #tpu.memory_space<semaphore_mem>>
      %dma_start3A = arith.constant 0 : i32
      %dma_start3A_72 = tpu.memref_slice %arg2[%add3A_12, %dma_start3A] : memref<1000000x3xf32, #tpu.memory_space<hbm>> -> memref<1008x3xf32, #tpu.memory_space<hbm>>
      %dma_start3A_73 = arith.constant 0 : i32
      %dma_start3A_74 = tpu.memref_slice %arg2[%add3A_12, %dma_start3A_73] : memref<1000000x3xf32, #tpu.memory_space<hbm>> -> memref<1008x3xf32, #tpu.memory_space<hbm>>
      tpu.enqueue_dma source(%dma_start3A_74 : memref<1008x3xf32, #tpu.memory_space<hbm>>) target(%arg6 : memref<1008x3xf32, #tpu.memory_space<vmem>>) target_semaphore(%run_scoped3A : memref<!tpu.dma_semaphore, #tpu.memory_space<semaphore_mem>>)
      %dma_wait3A = arith.constant 0 : i32
      %dma_wait3A_75 = tpu.memref_slice %arg2[%add3A_12, %dma_wait3A] : memref<1000000x3xf32, #tpu.memory_space<hbm>> -> memref<1008x3xf32, #tpu.memory_space<hbm>>
      %dma_wait3A_76 = arith.constant 0 : i32
      %dma_wait3A_77 = tpu.memref_slice %arg2[%add3A_12, %dma_wait3A_76] : memref<1000000x3xf32, #tpu.memory_space<hbm>> -> memref<1008x3xf32, #tpu.memory_space<hbm>>
      tpu.wait_dma2 semaphore(%run_scoped3A : memref<!tpu.dma_semaphore, #tpu.memory_space<semaphore_mem>>) src(%dma_wait3A_77 : memref<1008x3xf32, #tpu.memory_space<hbm>>) dst(%arg6 : memref<1008x3xf32, #tpu.memory_space<vmem>>)
      tpu.yield
    }) : () -> ()
    "tpu.region"() ({
      %run_scoped3A = tpu.sem_alloc : memref<!tpu.dma_semaphore, #tpu.memory_space<semaphore_mem>>
      %dma_start3A = arith.constant 0 : i32
      %dma_start3A_72 = tpu.memref_slice %arg5[%add3A_12, %dma_start3A] : memref<1000000x3xf32, #tpu.memory_space<hbm>> -> memref<1008x3xf32, #tpu.memory_space<hbm>>
      %dma_start3A_73 = arith.constant 0 : i32
      %dma_start3A_74 = tpu.memref_slice %arg5[%add3A_12, %dma_start3A_73] : memref<1000000x3xf32, #tpu.memory_space<hbm>> -> memref<1008x3xf32, #tpu.memory_space<hbm>>
      tpu.enqueue_dma source(%arg6 : memref<1008x3xf32, #tpu.memory_space<vmem>>) target(%dma_start3A_74 : memref<1008x3xf32, #tpu.memory_space<hbm>>) target_semaphore(%run_scoped3A : memref<!tpu.dma_semaphore, #tpu.memory_space<semaphore_mem>>)
      %dma_wait3A = arith.constant 0 : i32
      %dma_wait3A_75 = tpu.memref_slice %arg5[%add3A_12, %dma_wait3A] : memref<1000000x3xf32, #tpu.memory_space<hbm>> -> memref<1008x3xf32, #tpu.memory_space<hbm>>
      %dma_wait3A_76 = arith.constant 0 : i32
      %dma_wait3A_77 = tpu.memref_slice %arg5[%add3A_12, %dma_wait3A_76] : memref<1000000x3xf32, #tpu.memory_space<hbm>> -> memref<1008x3xf32, #tpu.memory_space<hbm>>
      tpu.wait_dma2 semaphore(%run_scoped3A : memref<!tpu.dma_semaphore, #tpu.memory_space<semaphore_mem>>) src(%arg6 : memref<1008x3xf32, #tpu.memory_space<vmem>>) dst(%dma_wait3A_77 : memref<1008x3xf32, #tpu.memory_space<hbm>>)
      tpu.yield
    }) : () -> ()
    %add3A_13 = arith.constant 5040 : i32
    %add3A_14 = arith.addi %mul3A_2, %add3A_13 : i32
    "tpu.region"() ({
      %run_scoped3A = tpu.sem_alloc : memref<!tpu.dma_semaphore, #tpu.memory_space<semaphore_mem>>
      %dma_start3A = arith.constant 0 : i32
      %dma_start3A_72 = tpu.memref_slice %arg2[%add3A_14, %dma_start3A] : memref<1000000x3xf32, #tpu.memory_space<hbm>> -> memref<1008x3xf32, #tpu.memory_space<hbm>>
      %dma_start3A_73 = arith.constant 0 : i32
      %dma_start3A_74 = tpu.memref_slice %arg2[%add3A_14, %dma_start3A_73] : memref<1000000x3xf32, #tpu.memory_space<hbm>> -> memref<1008x3xf32, #tpu.memory_space<hbm>>
      tpu.enqueue_dma source(%dma_start3A_74 : memref<1008x3xf32, #tpu.memory_space<hbm>>) target(%arg6 : memref<1008x3xf32, #tpu.memory_space<vmem>>) target_semaphore(%run_scoped3A : memref<!tpu.dma_semaphore, #tpu.memory_space<semaphore_mem>>)
      %dma_wait3A = arith.constant 0 : i32
      %dma_wait3A_75 = tpu.memref_slice %arg2[%add3A_14, %dma_wait3A] : memref<1000000x3xf32, #tpu.memory_space<hbm>> -> memref<1008x3xf32, #tpu.memory_space<hbm>>
      %dma_wait3A_76 = arith.constant 0 : i32
      %dma_wait3A_77 = tpu.memref_slice %arg2[%add3A_14, %dma_wait3A_76] : memref<1000000x3xf32, #tpu.memory_space<hbm>> -> memref<1008x3xf32, #tpu.memory_space<hbm>>
      tpu.wait_dma2 semaphore(%run_scoped3A : memref<!tpu.dma_semaphore, #tpu.memory_space<semaphore_mem>>) src(%dma_wait3A_77 : memref<1008x3xf32, #tpu.memory_space<hbm>>) dst(%arg6 : memref<1008x3xf32, #tpu.memory_space<vmem>>)
      tpu.yield
    }) : () -> ()
    "tpu.region"() ({
      %run_scoped3A = tpu.sem_alloc : memref<!tpu.dma_semaphore, #tpu.memory_space<semaphore_mem>>
      %dma_start3A = arith.constant 0 : i32
      %dma_start3A_72 = tpu.memref_slice %arg5[%add3A_14, %dma_start3A] : memref<1000000x3xf32, #tpu.memory_space<hbm>> -> memref<1008x3xf32, #tpu.memory_space<hbm>>
      %dma_start3A_73 = arith.constant 0 : i32
      %dma_start3A_74 = tpu.memref_slice %arg5[%add3A_14, %dma_start3A_73] : memref<1000000x3xf32, #tpu.memory_space<hbm>> -> memref<1008x3xf32, #tpu.memory_space<hbm>>
      tpu.enqueue_dma source(%arg6 : memref<1008x3xf32, #tpu.memory_space<vmem>>) target(%dma_start3A_74 : memref<1008x3xf32, #tpu.memory_space<hbm>>) target_semaphore(%run_scoped3A : memref<!tpu.dma_semaphore, #tpu.memory_space<semaphore_mem>>)
      %dma_wait3A = arith.constant 0 : i32
      %dma_wait3A_75 = tpu.memref_slice %arg5[%add3A_14, %dma_wait3A] : memref<1000000x3xf32, #tpu.memory_space<hbm>> -> memref<1008x3xf32, #tpu.memory_space<hbm>>
      %dma_wait3A_76 = arith.constant 0 : i32
      %dma_wait3A_77 = tpu.memref_slice %arg5[%add3A_14, %dma_wait3A_76] : memref<1000000x3xf32, #tpu.memory_space<hbm>> -> memref<1008x3xf32, #tpu.memory_space<hbm>>
      tpu.wait_dma2 semaphore(%run_scoped3A : memref<!tpu.dma_semaphore, #tpu.memory_space<semaphore_mem>>) src(%arg6 : memref<1008x3xf32, #tpu.memory_space<vmem>>) dst(%dma_wait3A_77 : memref<1008x3xf32, #tpu.memory_space<hbm>>)
      tpu.yield
    }) : () -> ()
    %add3A_15 = arith.constant 6048 : i32
    %add3A_16 = arith.addi %mul3A_2, %add3A_15 : i32
    "tpu.region"() ({
      %run_scoped3A = tpu.sem_alloc : memref<!tpu.dma_semaphore, #tpu.memory_space<semaphore_mem>>
      %dma_start3A = arith.constant 0 : i32
      %dma_start3A_72 = tpu.memref_slice %arg2[%add3A_16, %dma_start3A] : memref<1000000x3xf32, #tpu.memory_space<hbm>> -> memref<1008x3xf32, #tpu.memory_space<hbm>>
      %dma_start3A_73 = arith.constant 0 : i32
      %dma_start3A_74 = tpu.memref_slice %arg2[%add3A_16, %dma_start3A_73] : memref<1000000x3xf32, #tpu.memory_space<hbm>> -> memref<1008x3xf32, #tpu.memory_space<hbm>>
      tpu.enqueue_dma source(%dma_start3A_74 : memref<1008x3xf32, #tpu.memory_space<hbm>>) target(%arg6 : memref<1008x3xf32, #tpu.memory_space<vmem>>) target_semaphore(%run_scoped3A : memref<!tpu.dma_semaphore, #tpu.memory_space<semaphore_mem>>)
      %dma_wait3A = arith.constant 0 : i32
      %dma_wait3A_75 = tpu.memref_slice %arg2[%add3A_16, %dma_wait3A] : memref<1000000x3xf32, #tpu.memory_space<hbm>> -> memref<1008x3xf32, #tpu.memory_space<hbm>>
      %dma_wait3A_76 = arith.constant 0 : i32
      %dma_wait3A_77 = tpu.memref_slice %arg2[%add3A_16, %dma_wait3A_76] : memref<1000000x3xf32, #tpu.memory_space<hbm>> -> memref<1008x3xf32, #tpu.memory_space<hbm>>
      tpu.wait_dma2 semaphore(%run_scoped3A : memref<!tpu.dma_semaphore, #tpu.memory_space<semaphore_mem>>) src(%dma_wait3A_77 : memref<1008x3xf32, #tpu.memory_space<hbm>>) dst(%arg6 : memref<1008x3xf32, #tpu.memory_space<vmem>>)
      tpu.yield
    }) : () -> ()
    "tpu.region"() ({
      %run_scoped3A = tpu.sem_alloc : memref<!tpu.dma_semaphore, #tpu.memory_space<semaphore_mem>>
      %dma_start3A = arith.constant 0 : i32
      %dma_start3A_72 = tpu.memref_slice %arg5[%add3A_16, %dma_start3A] : memref<1000000x3xf32, #tpu.memory_space<hbm>> -> memref<1008x3xf32, #tpu.memory_space<hbm>>
      %dma_start3A_73 = arith.constant 0 : i32
      %dma_start3A_74 = tpu.memref_slice %arg5[%add3A_16, %dma_start3A_73] : memref<1000000x3xf32, #tpu.memory_space<hbm>> -> memref<1008x3xf32, #tpu.memory_space<hbm>>
      tpu.enqueue_dma source(%arg6 : memref<1008x3xf32, #tpu.memory_space<vmem>>) target(%dma_start3A_74 : memref<1008x3xf32, #tpu.memory_space<hbm>>) target_semaphore(%run_scoped3A : memref<!tpu.dma_semaphore, #tpu.memory_space<semaphore_mem>>)
      %dma_wait3A = arith.constant 0 : i32
      %dma_wait3A_75 = tpu.memref_slice %arg5[%add3A_16, %dma_wait3A] : memref<1000000x3xf32, #tpu.memory_space<hbm>> -> memref<1008x3xf32, #tpu.memory_space<hbm>>
      %dma_wait3A_76 = arith.constant 0 : i32
      %dma_wait3A_77 = tpu.memref_slice %arg5[%add3A_16, %dma_wait3A_76] : memref<1000000x3xf32, #tpu.memory_space<hbm>> -> memref<1008x3xf32, #tpu.memory_space<hbm>>
      tpu.wait_dma2 semaphore(%run_scoped3A : memref<!tpu.dma_semaphore, #tpu.memory_space<semaphore_mem>>) src(%arg6 : memref<1008x3xf32, #tpu.memory_space<vmem>>) dst(%dma_wait3A_77 : memref<1008x3xf32, #tpu.memory_space<hbm>>)
      tpu.yield
    }) : () -> ()
    %add3A_17 = arith.constant 7056 : i32
    %add3A_18 = arith.addi %mul3A_2, %add3A_17 : i32
    "tpu.region"() ({
      %run_scoped3A = tpu.sem_alloc : memref<!tpu.dma_semaphore, #tpu.memory_space<semaphore_mem>>
      %dma_start3A = arith.constant 0 : i32
      %dma_start3A_72 = tpu.memref_slice %arg2[%add3A_18, %dma_start3A] : memref<1000000x3xf32, #tpu.memory_space<hbm>> -> memref<1008x3xf32, #tpu.memory_space<hbm>>
      %dma_start3A_73 = arith.constant 0 : i32
      %dma_start3A_74 = tpu.memref_slice %arg2[%add3A_18, %dma_start3A_73] : memref<1000000x3xf32, #tpu.memory_space<hbm>> -> memref<1008x3xf32, #tpu.memory_space<hbm>>
      tpu.enqueue_dma source(%dma_start3A_74 : memref<1008x3xf32, #tpu.memory_space<hbm>>) target(%arg6 : memref<1008x3xf32, #tpu.memory_space<vmem>>) target_semaphore(%run_scoped3A : memref<!tpu.dma_semaphore, #tpu.memory_space<semaphore_mem>>)
      %dma_wait3A = arith.constant 0 : i32
      %dma_wait3A_75 = tpu.memref_slice %arg2[%add3A_18, %dma_wait3A] : memref<1000000x3xf32, #tpu.memory_space<hbm>> -> memref<1008x3xf32, #tpu.memory_space<hbm>>
      %dma_wait3A_76 = arith.constant 0 : i32
      %dma_wait3A_77 = tpu.memref_slice %arg2[%add3A_18, %dma_wait3A_76] : memref<1000000x3xf32, #tpu.memory_space<hbm>> -> memref<1008x3xf32, #tpu.memory_space<hbm>>
      tpu.wait_dma2 semaphore(%run_scoped3A : memref<!tpu.dma_semaphore, #tpu.memory_space<semaphore_mem>>) src(%dma_wait3A_77 : memref<1008x3xf32, #tpu.memory_space<hbm>>) dst(%arg6 : memref<1008x3xf32, #tpu.memory_space<vmem>>)
      tpu.yield
    }) : () -> ()
    "tpu.region"() ({
      %run_scoped3A = tpu.sem_alloc : memref<!tpu.dma_semaphore, #tpu.memory_space<semaphore_mem>>
      %dma_start3A = arith.constant 0 : i32
      %dma_start3A_72 = tpu.memref_slice %arg5[%add3A_18, %dma_start3A] : memref<1000000x3xf32, #tpu.memory_space<hbm>> -> memref<1008x3xf32, #tpu.memory_space<hbm>>
      %dma_start3A_73 = arith.constant 0 : i32
      %dma_start3A_74 = tpu.memref_slice %arg5[%add3A_18, %dma_start3A_73] : memref<1000000x3xf32, #tpu.memory_space<hbm>> -> memref<1008x3xf32, #tpu.memory_space<hbm>>
      tpu.enqueue_dma source(%arg6 : memref<1008x3xf32, #tpu.memory_space<vmem>>) target(%dma_start3A_74 : memref<1008x3xf32, #tpu.memory_space<hbm>>) target_semaphore(%run_scoped3A : memref<!tpu.dma_semaphore, #tpu.memory_space<semaphore_mem>>)
      %dma_wait3A = arith.constant 0 : i32
      %dma_wait3A_75 = tpu.memref_slice %arg5[%add3A_18, %dma_wait3A] : memref<1000000x3xf32, #tpu.memory_space<hbm>> -> memref<1008x3xf32, #tpu.memory_space<hbm>>
      %dma_wait3A_76 = arith.constant 0 : i32
      %dma_wait3A_77 = tpu.memref_slice %arg5[%add3A_18, %dma_wait3A_76] : memref<1000000x3xf32, #tpu.memory_space<hbm>> -> memref<1008x3xf32, #tpu.memory_space<hbm>>
      tpu.wait_dma2 semaphore(%run_scoped3A : memref<!tpu.dma_semaphore, #tpu.memory_space<semaphore_mem>>) src(%arg6 : memref<1008x3xf32, #tpu.memory_space<vmem>>) dst(%dma_wait3A_77 : memref<1008x3xf32, #tpu.memory_space<hbm>>)
      tpu.yield
    }) : () -> ()
    %add3A_19 = arith.constant 8064 : i32
    %add3A_20 = arith.addi %mul3A_2, %add3A_19 : i32
    "tpu.region"() ({
      %run_scoped3A = tpu.sem_alloc : memref<!tpu.dma_semaphore, #tpu.memory_space<semaphore_mem>>
      %dma_start3A = arith.constant 0 : i32
      %dma_start3A_72 = tpu.memref_slice %arg2[%add3A_20, %dma_start3A] : memref<1000000x3xf32, #tpu.memory_space<hbm>> -> memref<1008x3xf32, #tpu.memory_space<hbm>>
      %dma_start3A_73 = arith.constant 0 : i32
      %dma_start3A_74 = tpu.memref_slice %arg2[%add3A_20, %dma_start3A_73] : memref<1000000x3xf32, #tpu.memory_space<hbm>> -> memref<1008x3xf32, #tpu.memory_space<hbm>>
      tpu.enqueue_dma source(%dma_start3A_74 : memref<1008x3xf32, #tpu.memory_space<hbm>>) target(%arg6 : memref<1008x3xf32, #tpu.memory_space<vmem>>) target_semaphore(%run_scoped3A : memref<!tpu.dma_semaphore, #tpu.memory_space<semaphore_mem>>)
      %dma_wait3A = arith.constant 0 : i32
      %dma_wait3A_75 = tpu.memref_slice %arg2[%add3A_20, %dma_wait3A] : memref<1000000x3xf32, #tpu.memory_space<hbm>> -> memref<1008x3xf32, #tpu.memory_space<hbm>>
      %dma_wait3A_76 = arith.constant 0 : i32
      %dma_wait3A_77 = tpu.memref_slice %arg2[%add3A_20, %dma_wait3A_76] : memref<1000000x3xf32, #tpu.memory_space<hbm>> -> memref<1008x3xf32, #tpu.memory_space<hbm>>
      tpu.wait_dma2 semaphore(%run_scoped3A : memref<!tpu.dma_semaphore, #tpu.memory_space<semaphore_mem>>) src(%dma_wait3A_77 : memref<1008x3xf32, #tpu.memory_space<hbm>>) dst(%arg6 : memref<1008x3xf32, #tpu.memory_space<vmem>>)
      tpu.yield
    }) : () -> ()
    "tpu.region"() ({
      %run_scoped3A = tpu.sem_alloc : memref<!tpu.dma_semaphore, #tpu.memory_space<semaphore_mem>>
      %dma_start3A = arith.constant 0 : i32
      %dma_start3A_72 = tpu.memref_slice %arg5[%add3A_20, %dma_start3A] : memref<1000000x3xf32, #tpu.memory_space<hbm>> -> memref<1008x3xf32, #tpu.memory_space<hbm>>
      %dma_start3A_73 = arith.constant 0 : i32
      %dma_start3A_74 = tpu.memref_slice %arg5[%add3A_20, %dma_start3A_73] : memref<1000000x3xf32, #tpu.memory_space<hbm>> -> memref<1008x3xf32, #tpu.memory_space<hbm>>
      tpu.enqueue_dma source(%arg6 : memref<1008x3xf32, #tpu.memory_space<vmem>>) target(%dma_start3A_74 : memref<1008x3xf32, #tpu.memory_space<hbm>>) target_semaphore(%run_scoped3A : memref<!tpu.dma_semaphore, #tpu.memory_space<semaphore_mem>>)
      %dma_wait3A = arith.constant 0 : i32
      %dma_wait3A_75 = tpu.memref_slice %arg5[%add3A_20, %dma_wait3A] : memref<1000000x3xf32, #tpu.memory_space<hbm>> -> memref<1008x3xf32, #tpu.memory_space<hbm>>
      %dma_wait3A_76 = arith.constant 0 : i32
      %dma_wait3A_77 = tpu.memref_slice %arg5[%add3A_20, %dma_wait3A_76] : memref<1000000x3xf32, #tpu.memory_space<hbm>> -> memref<1008x3xf32, #tpu.memory_space<hbm>>
      tpu.wait_dma2 semaphore(%run_scoped3A : memref<!tpu.dma_semaphore, #tpu.memory_space<semaphore_mem>>) src(%arg6 : memref<1008x3xf32, #tpu.memory_space<vmem>>) dst(%dma_wait3A_77 : memref<1008x3xf32, #tpu.memory_space<hbm>>)
      tpu.yield
    }) : () -> ()
    %add3A_21 = arith.constant 9072 : i32
    %add3A_22 = arith.addi %mul3A_2, %add3A_21 : i32
    "tpu.region"() ({
      %run_scoped3A = tpu.sem_alloc : memref<!tpu.dma_semaphore, #tpu.memory_space<semaphore_mem>>
      %dma_start3A = arith.constant 0 : i32
      %dma_start3A_72 = tpu.memref_slice %arg2[%add3A_22, %dma_start3A] : memref<1000000x3xf32, #tpu.memory_space<hbm>> -> memref<1008x3xf32, #tpu.memory_space<hbm>>
      %dma_start3A_73 = arith.constant 0 : i32
      %dma_start3A_74 = tpu.memref_slice %arg2[%add3A_22, %dma_start3A_73] : memref<1000000x3xf32, #tpu.memory_space<hbm>> -> memref<1008x3xf32, #tpu.memory_space<hbm>>
      tpu.enqueue_dma source(%dma_start3A_74 : memref<1008x3xf32, #tpu.memory_space<hbm>>) target(%arg6 : memref<1008x3xf32, #tpu.memory_space<vmem>>) target_semaphore(%run_scoped3A : memref<!tpu.dma_semaphore, #tpu.memory_space<semaphore_mem>>)
      %dma_wait3A = arith.constant 0 : i32
      %dma_wait3A_75 = tpu.memref_slice %arg2[%add3A_22, %dma_wait3A] : memref<1000000x3xf32, #tpu.memory_space<hbm>> -> memref<1008x3xf32, #tpu.memory_space<hbm>>
      %dma_wait3A_76 = arith.constant 0 : i32
      %dma_wait3A_77 = tpu.memref_slice %arg2[%add3A_22, %dma_wait3A_76] : memref<1000000x3xf32, #tpu.memory_space<hbm>> -> memref<1008x3xf32, #tpu.memory_space<hbm>>
      tpu.wait_dma2 semaphore(%run_scoped3A : memref<!tpu.dma_semaphore, #tpu.memory_space<semaphore_mem>>) src(%dma_wait3A_77 : memref<1008x3xf32, #tpu.memory_space<hbm>>) dst(%arg6 : memref<1008x3xf32, #tpu.memory_space<vmem>>)
      tpu.yield
    }) : () -> ()
    "tpu.region"() ({
      %run_scoped3A = tpu.sem_alloc : memref<!tpu.dma_semaphore, #tpu.memory_space<semaphore_mem>>
      %dma_start3A = arith.constant 0 : i32
      %dma_start3A_72 = tpu.memref_slice %arg5[%add3A_22, %dma_start3A] : memref<1000000x3xf32, #tpu.memory_space<hbm>> -> memref<1008x3xf32, #tpu.memory_space<hbm>>
      %dma_start3A_73 = arith.constant 0 : i32
      %dma_start3A_74 = tpu.memref_slice %arg5[%add3A_22, %dma_start3A_73] : memref<1000000x3xf32, #tpu.memory_space<hbm>> -> memref<1008x3xf32, #tpu.memory_space<hbm>>
      tpu.enqueue_dma source(%arg6 : memref<1008x3xf32, #tpu.memory_space<vmem>>) target(%dma_start3A_74 : memref<1008x3xf32, #tpu.memory_space<hbm>>) target_semaphore(%run_scoped3A : memref<!tpu.dma_semaphore, #tpu.memory_space<semaphore_mem>>)
      %dma_wait3A = arith.constant 0 : i32
      %dma_wait3A_75 = tpu.memref_slice %arg5[%add3A_22, %dma_wait3A] : memref<1000000x3xf32, #tpu.memory_space<hbm>> -> memref<1008x3xf32, #tpu.memory_space<hbm>>
      %dma_wait3A_76 = arith.constant 0 : i32
      %dma_wait3A_77 = tpu.memref_slice %arg5[%add3A_22, %dma_wait3A_76] : memref<1000000x3xf32, #tpu.memory_space<hbm>> -> memref<1008x3xf32, #tpu.memory_space<hbm>>
      tpu.wait_dma2 semaphore(%run_scoped3A : memref<!tpu.dma_semaphore, #tpu.memory_space<semaphore_mem>>) src(%arg6 : memref<1008x3xf32, #tpu.memory_space<vmem>>) dst(%dma_wait3A_77 : memref<1008x3xf32, #tpu.memory_space<hbm>>)
      tpu.yield
    }) : () -> ()
    %add3A_23 = arith.constant 10080 : i32
    %add3A_24 = arith.addi %mul3A_2, %add3A_23 : i32
    "tpu.region"() ({
      %run_scoped3A = tpu.sem_alloc : memref<!tpu.dma_semaphore, #tpu.memory_space<semaphore_mem>>
      %dma_start3A = arith.constant 0 : i32
      %dma_start3A_72 = tpu.memref_slice %arg2[%add3A_24, %dma_start3A] : memref<1000000x3xf32, #tpu.memory_space<hbm>> -> memref<1008x3xf32, #tpu.memory_space<hbm>>
      %dma_start3A_73 = arith.constant 0 : i32
      %dma_start3A_74 = tpu.memref_slice %arg2[%add3A_24, %dma_start3A_73] : memref<1000000x3xf32, #tpu.memory_space<hbm>> -> memref<1008x3xf32, #tpu.memory_space<hbm>>
      tpu.enqueue_dma source(%dma_start3A_74 : memref<1008x3xf32, #tpu.memory_space<hbm>>) target(%arg6 : memref<1008x3xf32, #tpu.memory_space<vmem>>) target_semaphore(%run_scoped3A : memref<!tpu.dma_semaphore, #tpu.memory_space<semaphore_mem>>)
      %dma_wait3A = arith.constant 0 : i32
      %dma_wait3A_75 = tpu.memref_slice %arg2[%add3A_24, %dma_wait3A] : memref<1000000x3xf32, #tpu.memory_space<hbm>> -> memref<1008x3xf32, #tpu.memory_space<hbm>>
      %dma_wait3A_76 = arith.constant 0 : i32
      %dma_wait3A_77 = tpu.memref_slice %arg2[%add3A_24, %dma_wait3A_76] : memref<1000000x3xf32, #tpu.memory_space<hbm>> -> memref<1008x3xf32, #tpu.memory_space<hbm>>
      tpu.wait_dma2 semaphore(%run_scoped3A : memref<!tpu.dma_semaphore, #tpu.memory_space<semaphore_mem>>) src(%dma_wait3A_77 : memref<1008x3xf32, #tpu.memory_space<hbm>>) dst(%arg6 : memref<1008x3xf32, #tpu.memory_space<vmem>>)
      tpu.yield
    }) : () -> ()
    "tpu.region"() ({
      %run_scoped3A = tpu.sem_alloc : memref<!tpu.dma_semaphore, #tpu.memory_space<semaphore_mem>>
      %dma_start3A = arith.constant 0 : i32
      %dma_start3A_72 = tpu.memref_slice %arg5[%add3A_24, %dma_start3A] : memref<1000000x3xf32, #tpu.memory_space<hbm>> -> memref<1008x3xf32, #tpu.memory_space<hbm>>
      %dma_start3A_73 = arith.constant 0 : i32
      %dma_start3A_74 = tpu.memref_slice %arg5[%add3A_24, %dma_start3A_73] : memref<1000000x3xf32, #tpu.memory_space<hbm>> -> memref<1008x3xf32, #tpu.memory_space<hbm>>
      tpu.enqueue_dma source(%arg6 : memref<1008x3xf32, #tpu.memory_space<vmem>>) target(%dma_start3A_74 : memref<1008x3xf32, #tpu.memory_space<hbm>>) target_semaphore(%run_scoped3A : memref<!tpu.dma_semaphore, #tpu.memory_space<semaphore_mem>>)
      %dma_wait3A = arith.constant 0 : i32
      %dma_wait3A_75 = tpu.memref_slice %arg5[%add3A_24, %dma_wait3A] : memref<1000000x3xf32, #tpu.memory_space<hbm>> -> memref<1008x3xf32, #tpu.memory_space<hbm>>
      %dma_wait3A_76 = arith.constant 0 : i32
      %dma_wait3A_77 = tpu.memref_slice %arg5[%add3A_24, %dma_wait3A_76] : memref<1000000x3xf32, #tpu.memory_space<hbm>> -> memref<1008x3xf32, #tpu.memory_space<hbm>>
      tpu.wait_dma2 semaphore(%run_scoped3A : memref<!tpu.dma_semaphore, #tpu.memory_space<semaphore_mem>>) src(%arg6 : memref<1008x3xf32, #tpu.memory_space<vmem>>) dst(%dma_wait3A_77 : memref<1008x3xf32, #tpu.memory_space<hbm>>)
      tpu.yield
    }) : () -> ()
    %add3A_25 = arith.constant 11088 : i32
    %add3A_26 = arith.addi %mul3A_2, %add3A_25 : i32
    "tpu.region"() ({
      %run_scoped3A = tpu.sem_alloc : memref<!tpu.dma_semaphore, #tpu.memory_space<semaphore_mem>>
      %dma_start3A = arith.constant 0 : i32
      %dma_start3A_72 = tpu.memref_slice %arg2[%add3A_26, %dma_start3A] : memref<1000000x3xf32, #tpu.memory_space<hbm>> -> memref<1008x3xf32, #tpu.memory_space<hbm>>
      %dma_start3A_73 = arith.constant 0 : i32
      %dma_start3A_74 = tpu.memref_slice %arg2[%add3A_26, %dma_start3A_73] : memref<1000000x3xf32, #tpu.memory_space<hbm>> -> memref<1008x3xf32, #tpu.memory_space<hbm>>
      tpu.enqueue_dma source(%dma_start3A_74 : memref<1008x3xf32, #tpu.memory_space<hbm>>) target(%arg6 : memref<1008x3xf32, #tpu.memory_space<vmem>>) target_semaphore(%run_scoped3A : memref<!tpu.dma_semaphore, #tpu.memory_space<semaphore_mem>>)
      %dma_wait3A = arith.constant 0 : i32
      %dma_wait3A_75 = tpu.memref_slice %arg2[%add3A_26, %dma_wait3A] : memref<1000000x3xf32, #tpu.memory_space<hbm>> -> memref<1008x3xf32, #tpu.memory_space<hbm>>
      %dma_wait3A_76 = arith.constant 0 : i32
      %dma_wait3A_77 = tpu.memref_slice %arg2[%add3A_26, %dma_wait3A_76] : memref<1000000x3xf32, #tpu.memory_space<hbm>> -> memref<1008x3xf32, #tpu.memory_space<hbm>>
      tpu.wait_dma2 semaphore(%run_scoped3A : memref<!tpu.dma_semaphore, #tpu.memory_space<semaphore_mem>>) src(%dma_wait3A_77 : memref<1008x3xf32, #tpu.memory_space<hbm>>) dst(%arg6 : memref<1008x3xf32, #tpu.memory_space<vmem>>)
      tpu.yield
    }) : () -> ()
    "tpu.region"() ({
      %run_scoped3A = tpu.sem_alloc : memref<!tpu.dma_semaphore, #tpu.memory_space<semaphore_mem>>
      %dma_start3A = arith.constant 0 : i32
      %dma_start3A_72 = tpu.memref_slice %arg5[%add3A_26, %dma_start3A] : memref<1000000x3xf32, #tpu.memory_space<hbm>> -> memref<1008x3xf32, #tpu.memory_space<hbm>>
      %dma_start3A_73 = arith.constant 0 : i32
      %dma_start3A_74 = tpu.memref_slice %arg5[%add3A_26, %dma_start3A_73] : memref<1000000x3xf32, #tpu.memory_space<hbm>> -> memref<1008x3xf32, #tpu.memory_space<hbm>>
      tpu.enqueue_dma source(%arg6 : memref<1008x3xf32, #tpu.memory_space<vmem>>) target(%dma_start3A_74 : memref<1008x3xf32, #tpu.memory_space<hbm>>) target_semaphore(%run_scoped3A : memref<!tpu.dma_semaphore, #tpu.memory_space<semaphore_mem>>)
      %dma_wait3A = arith.constant 0 : i32
      %dma_wait3A_75 = tpu.memref_slice %arg5[%add3A_26, %dma_wait3A] : memref<1000000x3xf32, #tpu.memory_space<hbm>> -> memref<1008x3xf32, #tpu.memory_space<hbm>>
      %dma_wait3A_76 = arith.constant 0 : i32
      %dma_wait3A_77 = tpu.memref_slice %arg5[%add3A_26, %dma_wait3A_76] : memref<1000000x3xf32, #tpu.memory_space<hbm>> -> memref<1008x3xf32, #tpu.memory_space<hbm>>
      tpu.wait_dma2 semaphore(%run_scoped3A : memref<!tpu.dma_semaphore, #tpu.memory_space<semaphore_mem>>) src(%arg6 : memref<1008x3xf32, #tpu.memory_space<vmem>>) dst(%dma_wait3A_77 : memref<1008x3xf32, #tpu.memory_space<hbm>>)
      tpu.yield
    }) : () -> ()
    %add3A_27 = arith.constant 12096 : i32
    %add3A_28 = arith.addi %mul3A_2, %add3A_27 : i32
    "tpu.region"() ({
      %run_scoped3A = tpu.sem_alloc : memref<!tpu.dma_semaphore, #tpu.memory_space<semaphore_mem>>
      %dma_start3A = arith.constant 0 : i32
      %dma_start3A_72 = tpu.memref_slice %arg2[%add3A_28, %dma_start3A] : memref<1000000x3xf32, #tpu.memory_space<hbm>> -> memref<1008x3xf32, #tpu.memory_space<hbm>>
      %dma_start3A_73 = arith.constant 0 : i32
      %dma_start3A_74 = tpu.memref_slice %arg2[%add3A_28, %dma_start3A_73] : memref<1000000x3xf32, #tpu.memory_space<hbm>> -> memref<1008x3xf32, #tpu.memory_space<hbm>>
      tpu.enqueue_dma source(%dma_start3A_74 : memref<1008x3xf32, #tpu.memory_space<hbm>>) target(%arg6 : memref<1008x3xf32, #tpu.memory_space<vmem>>) target_semaphore(%run_scoped3A : memref<!tpu.dma_semaphore, #tpu.memory_space<semaphore_mem>>)
      %dma_wait3A = arith.constant 0 : i32
      %dma_wait3A_75 = tpu.memref_slice %arg2[%add3A_28, %dma_wait3A] : memref<1000000x3xf32, #tpu.memory_space<hbm>> -> memref<1008x3xf32, #tpu.memory_space<hbm>>
      %dma_wait3A_76 = arith.constant 0 : i32
      %dma_wait3A_77 = tpu.memref_slice %arg2[%add3A_28, %dma_wait3A_76] : memref<1000000x3xf32, #tpu.memory_space<hbm>> -> memref<1008x3xf32, #tpu.memory_space<hbm>>
      tpu.wait_dma2 semaphore(%run_scoped3A : memref<!tpu.dma_semaphore, #tpu.memory_space<semaphore_mem>>) src(%dma_wait3A_77 : memref<1008x3xf32, #tpu.memory_space<hbm>>) dst(%arg6 : memref<1008x3xf32, #tpu.memory_space<vmem>>)
      tpu.yield
    }) : () -> ()
    "tpu.region"() ({
      %run_scoped3A = tpu.sem_alloc : memref<!tpu.dma_semaphore, #tpu.memory_space<semaphore_mem>>
      %dma_start3A = arith.constant 0 : i32
      %dma_start3A_72 = tpu.memref_slice %arg5[%add3A_28, %dma_start3A] : memref<1000000x3xf32, #tpu.memory_space<hbm>> -> memref<1008x3xf32, #tpu.memory_space<hbm>>
      %dma_start3A_73 = arith.constant 0 : i32
      %dma_start3A_74 = tpu.memref_slice %arg5[%add3A_28, %dma_start3A_73] : memref<1000000x3xf32, #tpu.memory_space<hbm>> -> memref<1008x3xf32, #tpu.memory_space<hbm>>
      tpu.enqueue_dma source(%arg6 : memref<1008x3xf32, #tpu.memory_space<vmem>>) target(%dma_start3A_74 : memref<1008x3xf32, #tpu.memory_space<hbm>>) target_semaphore(%run_scoped3A : memref<!tpu.dma_semaphore, #tpu.memory_space<semaphore_mem>>)
      %dma_wait3A = arith.constant 0 : i32
      %dma_wait3A_75 = tpu.memref_slice %arg5[%add3A_28, %dma_wait3A] : memref<1000000x3xf32, #tpu.memory_space<hbm>> -> memref<1008x3xf32, #tpu.memory_space<hbm>>
      %dma_wait3A_76 = arith.constant 0 : i32
      %dma_wait3A_77 = tpu.memref_slice %arg5[%add3A_28, %dma_wait3A_76] : memref<1000000x3xf32, #tpu.memory_space<hbm>> -> memref<1008x3xf32, #tpu.memory_space<hbm>>
      tpu.wait_dma2 semaphore(%run_scoped3A : memref<!tpu.dma_semaphore, #tpu.memory_space<semaphore_mem>>) src(%arg6 : memref<1008x3xf32, #tpu.memory_space<vmem>>) dst(%dma_wait3A_77 : memref<1008x3xf32, #tpu.memory_space<hbm>>)
      tpu.yield
    }) : () -> ()
    %add3A_29 = arith.constant 13104 : i32
    %add3A_30 = arith.addi %mul3A_2, %add3A_29 : i32
    "tpu.region"() ({
      %run_scoped3A = tpu.sem_alloc : memref<!tpu.dma_semaphore, #tpu.memory_space<semaphore_mem>>
      %dma_start3A = arith.constant 0 : i32
      %dma_start3A_72 = tpu.memref_slice %arg2[%add3A_30, %dma_start3A] : memref<1000000x3xf32, #tpu.memory_space<hbm>> -> memref<1008x3xf32, #tpu.memory_space<hbm>>
      %dma_start3A_73 = arith.constant 0 : i32
      %dma_start3A_74 = tpu.memref_slice %arg2[%add3A_30, %dma_start3A_73] : memref<1000000x3xf32, #tpu.memory_space<hbm>> -> memref<1008x3xf32, #tpu.memory_space<hbm>>
      tpu.enqueue_dma source(%dma_start3A_74 : memref<1008x3xf32, #tpu.memory_space<hbm>>) target(%arg6 : memref<1008x3xf32, #tpu.memory_space<vmem>>) target_semaphore(%run_scoped3A : memref<!tpu.dma_semaphore, #tpu.memory_space<semaphore_mem>>)
      %dma_wait3A = arith.constant 0 : i32
      %dma_wait3A_75 = tpu.memref_slice %arg2[%add3A_30, %dma_wait3A] : memref<1000000x3xf32, #tpu.memory_space<hbm>> -> memref<1008x3xf32, #tpu.memory_space<hbm>>
      %dma_wait3A_76 = arith.constant 0 : i32
      %dma_wait3A_77 = tpu.memref_slice %arg2[%add3A_30, %dma_wait3A_76] : memref<1000000x3xf32, #tpu.memory_space<hbm>> -> memref<1008x3xf32, #tpu.memory_space<hbm>>
      tpu.wait_dma2 semaphore(%run_scoped3A : memref<!tpu.dma_semaphore, #tpu.memory_space<semaphore_mem>>) src(%dma_wait3A_77 : memref<1008x3xf32, #tpu.memory_space<hbm>>) dst(%arg6 : memref<1008x3xf32, #tpu.memory_space<vmem>>)
      tpu.yield
    }) : () -> ()
    "tpu.region"() ({
      %run_scoped3A = tpu.sem_alloc : memref<!tpu.dma_semaphore, #tpu.memory_space<semaphore_mem>>
      %dma_start3A = arith.constant 0 : i32
      %dma_start3A_72 = tpu.memref_slice %arg5[%add3A_30, %dma_start3A] : memref<1000000x3xf32, #tpu.memory_space<hbm>> -> memref<1008x3xf32, #tpu.memory_space<hbm>>
      %dma_start3A_73 = arith.constant 0 : i32
      %dma_start3A_74 = tpu.memref_slice %arg5[%add3A_30, %dma_start3A_73] : memref<1000000x3xf32, #tpu.memory_space<hbm>> -> memref<1008x3xf32, #tpu.memory_space<hbm>>
      tpu.enqueue_dma source(%arg6 : memref<1008x3xf32, #tpu.memory_space<vmem>>) target(%dma_start3A_74 : memref<1008x3xf32, #tpu.memory_space<hbm>>) target_semaphore(%run_scoped3A : memref<!tpu.dma_semaphore, #tpu.memory_space<semaphore_mem>>)
      %dma_wait3A = arith.constant 0 : i32
      %dma_wait3A_75 = tpu.memref_slice %arg5[%add3A_30, %dma_wait3A] : memref<1000000x3xf32, #tpu.memory_space<hbm>> -> memref<1008x3xf32, #tpu.memory_space<hbm>>
      %dma_wait3A_76 = arith.constant 0 : i32
      %dma_wait3A_77 = tpu.memref_slice %arg5[%add3A_30, %dma_wait3A_76] : memref<1000000x3xf32, #tpu.memory_space<hbm>> -> memref<1008x3xf32, #tpu.memory_space<hbm>>
      tpu.wait_dma2 semaphore(%run_scoped3A : memref<!tpu.dma_semaphore, #tpu.memory_space<semaphore_mem>>) src(%arg6 : memref<1008x3xf32, #tpu.memory_space<vmem>>) dst(%dma_wait3A_77 : memref<1008x3xf32, #tpu.memory_space<hbm>>)
      tpu.yield
    }) : () -> ()
    %add3A_31 = arith.constant 14112 : i32
    %add3A_32 = arith.addi %mul3A_2, %add3A_31 : i32
    "tpu.region"() ({
      %run_scoped3A = tpu.sem_alloc : memref<!tpu.dma_semaphore, #tpu.memory_space<semaphore_mem>>
      %dma_start3A = arith.constant 0 : i32
      %dma_start3A_72 = tpu.memref_slice %arg2[%add3A_32, %dma_start3A] : memref<1000000x3xf32, #tpu.memory_space<hbm>> -> memref<1008x3xf32, #tpu.memory_space<hbm>>
      %dma_start3A_73 = arith.constant 0 : i32
      %dma_start3A_74 = tpu.memref_slice %arg2[%add3A_32, %dma_start3A_73] : memref<1000000x3xf32, #tpu.memory_space<hbm>> -> memref<1008x3xf32, #tpu.memory_space<hbm>>
      tpu.enqueue_dma source(%dma_start3A_74 : memref<1008x3xf32, #tpu.memory_space<hbm>>) target(%arg6 : memref<1008x3xf32, #tpu.memory_space<vmem>>) target_semaphore(%run_scoped3A : memref<!tpu.dma_semaphore, #tpu.memory_space<semaphore_mem>>)
      %dma_wait3A = arith.constant 0 : i32
      %dma_wait3A_75 = tpu.memref_slice %arg2[%add3A_32, %dma_wait3A] : memref<1000000x3xf32, #tpu.memory_space<hbm>> -> memref<1008x3xf32, #tpu.memory_space<hbm>>
      %dma_wait3A_76 = arith.constant 0 : i32
      %dma_wait3A_77 = tpu.memref_slice %arg2[%add3A_32, %dma_wait3A_76] : memref<1000000x3xf32, #tpu.memory_space<hbm>> -> memref<1008x3xf32, #tpu.memory_space<hbm>>
      tpu.wait_dma2 semaphore(%run_scoped3A : memref<!tpu.dma_semaphore, #tpu.memory_space<semaphore_mem>>) src(%dma_wait3A_77 : memref<1008x3xf32, #tpu.memory_space<hbm>>) dst(%arg6 : memref<1008x3xf32, #tpu.memory_space<vmem>>)
      tpu.yield
    }) : () -> ()
    "tpu.region"() ({
      %run_scoped3A = tpu.sem_alloc : memref<!tpu.dma_semaphore, #tpu.memory_space<semaphore_mem>>
      %dma_start3A = arith.constant 0 : i32
      %dma_start3A_72 = tpu.memref_slice %arg5[%add3A_32, %dma_start3A] : memref<1000000x3xf32, #tpu.memory_space<hbm>> -> memref<1008x3xf32, #tpu.memory_space<hbm>>
      %dma_start3A_73 = arith.constant 0 : i32
      %dma_start3A_74 = tpu.memref_slice %arg5[%add3A_32, %dma_start3A_73] : memref<1000000x3xf32, #tpu.memory_space<hbm>> -> memref<1008x3xf32, #tpu.memory_space<hbm>>
      tpu.enqueue_dma source(%arg6 : memref<1008x3xf32, #tpu.memory_space<vmem>>) target(%dma_start3A_74 : memref<1008x3xf32, #tpu.memory_space<hbm>>) target_semaphore(%run_scoped3A : memref<!tpu.dma_semaphore, #tpu.memory_space<semaphore_mem>>)
      %dma_wait3A = arith.constant 0 : i32
      %dma_wait3A_75 = tpu.memref_slice %arg5[%add3A_32, %dma_wait3A] : memref<1000000x3xf32, #tpu.memory_space<hbm>> -> memref<1008x3xf32, #tpu.memory_space<hbm>>
      %dma_wait3A_76 = arith.constant 0 : i32
      %dma_wait3A_77 = tpu.memref_slice %arg5[%add3A_32, %dma_wait3A_76] : memref<1000000x3xf32, #tpu.memory_space<hbm>> -> memref<1008x3xf32, #tpu.memory_space<hbm>>
      tpu.wait_dma2 semaphore(%run_scoped3A : memref<!tpu.dma_semaphore, #tpu.memory_space<semaphore_mem>>) src(%arg6 : memref<1008x3xf32, #tpu.memory_space<vmem>>) dst(%dma_wait3A_77 : memref<1008x3xf32, #tpu.memory_space<hbm>>)
      tpu.yield
    }) : () -> ()
    %add3A_33 = arith.constant 15120 : i32
    %add3A_34 = arith.addi %mul3A_2, %add3A_33 : i32
    "tpu.region"() ({
      %run_scoped3A = tpu.sem_alloc : memref<!tpu.dma_semaphore, #tpu.memory_space<semaphore_mem>>
      %dma_start3A = arith.constant 0 : i32
      %dma_start3A_72 = tpu.memref_slice %arg2[%add3A_34, %dma_start3A] : memref<1000000x3xf32, #tpu.memory_space<hbm>> -> memref<1008x3xf32, #tpu.memory_space<hbm>>
      %dma_start3A_73 = arith.constant 0 : i32
      %dma_start3A_74 = tpu.memref_slice %arg2[%add3A_34, %dma_start3A_73] : memref<1000000x3xf32, #tpu.memory_space<hbm>> -> memref<1008x3xf32, #tpu.memory_space<hbm>>
      tpu.enqueue_dma source(%dma_start3A_74 : memref<1008x3xf32, #tpu.memory_space<hbm>>) target(%arg6 : memref<1008x3xf32, #tpu.memory_space<vmem>>) target_semaphore(%run_scoped3A : memref<!tpu.dma_semaphore, #tpu.memory_space<semaphore_mem>>)
      %dma_wait3A = arith.constant 0 : i32
      %dma_wait3A_75 = tpu.memref_slice %arg2[%add3A_34, %dma_wait3A] : memref<1000000x3xf32, #tpu.memory_space<hbm>> -> memref<1008x3xf32, #tpu.memory_space<hbm>>
      %dma_wait3A_76 = arith.constant 0 : i32
      %dma_wait3A_77 = tpu.memref_slice %arg2[%add3A_34, %dma_wait3A_76] : memref<1000000x3xf32, #tpu.memory_space<hbm>> -> memref<1008x3xf32, #tpu.memory_space<hbm>>
      tpu.wait_dma2 semaphore(%run_scoped3A : memref<!tpu.dma_semaphore, #tpu.memory_space<semaphore_mem>>) src(%dma_wait3A_77 : memref<1008x3xf32, #tpu.memory_space<hbm>>) dst(%arg6 : memref<1008x3xf32, #tpu.memory_space<vmem>>)
      tpu.yield
    }) : () -> ()
    "tpu.region"() ({
      %run_scoped3A = tpu.sem_alloc : memref<!tpu.dma_semaphore, #tpu.memory_space<semaphore_mem>>
      %dma_start3A = arith.constant 0 : i32
      %dma_start3A_72 = tpu.memref_slice %arg5[%add3A_34, %dma_start3A] : memref<1000000x3xf32, #tpu.memory_space<hbm>> -> memref<1008x3xf32, #tpu.memory_space<hbm>>
      %dma_start3A_73 = arith.constant 0 : i32
      %dma_start3A_74 = tpu.memref_slice %arg5[%add3A_34, %dma_start3A_73] : memref<1000000x3xf32, #tpu.memory_space<hbm>> -> memref<1008x3xf32, #tpu.memory_space<hbm>>
      tpu.enqueue_dma source(%arg6 : memref<1008x3xf32, #tpu.memory_space<vmem>>) target(%dma_start3A_74 : memref<1008x3xf32, #tpu.memory_space<hbm>>) target_semaphore(%run_scoped3A : memref<!tpu.dma_semaphore, #tpu.memory_space<semaphore_mem>>)
      %dma_wait3A = arith.constant 0 : i32
      %dma_wait3A_75 = tpu.memref_slice %arg5[%add3A_34, %dma_wait3A] : memref<1000000x3xf32, #tpu.memory_space<hbm>> -> memref<1008x3xf32, #tpu.memory_space<hbm>>
      %dma_wait3A_76 = arith.constant 0 : i32
      %dma_wait3A_77 = tpu.memref_slice %arg5[%add3A_34, %dma_wait3A_76] : memref<1000000x3xf32, #tpu.memory_space<hbm>> -> memref<1008x3xf32, #tpu.memory_space<hbm>>
      tpu.wait_dma2 semaphore(%run_scoped3A : memref<!tpu.dma_semaphore, #tpu.memory_space<semaphore_mem>>) src(%arg6 : memref<1008x3xf32, #tpu.memory_space<vmem>>) dst(%dma_wait3A_77 : memref<1008x3xf32, #tpu.memory_space<hbm>>)
      tpu.yield
    }) : () -> ()
    %add3A_35 = arith.constant 16128 : i32
    %add3A_36 = arith.addi %mul3A_2, %add3A_35 : i32
    "tpu.region"() ({
      %run_scoped3A = tpu.sem_alloc : memref<!tpu.dma_semaphore, #tpu.memory_space<semaphore_mem>>
      %dma_start3A = arith.constant 0 : i32
      %dma_start3A_72 = tpu.memref_slice %arg2[%add3A_36, %dma_start3A] : memref<1000000x3xf32, #tpu.memory_space<hbm>> -> memref<1008x3xf32, #tpu.memory_space<hbm>>
      %dma_start3A_73 = arith.constant 0 : i32
      %dma_start3A_74 = tpu.memref_slice %arg2[%add3A_36, %dma_start3A_73] : memref<1000000x3xf32, #tpu.memory_space<hbm>> -> memref<1008x3xf32, #tpu.memory_space<hbm>>
      tpu.enqueue_dma source(%dma_start3A_74 : memref<1008x3xf32, #tpu.memory_space<hbm>>) target(%arg6 : memref<1008x3xf32, #tpu.memory_space<vmem>>) target_semaphore(%run_scoped3A : memref<!tpu.dma_semaphore, #tpu.memory_space<semaphore_mem>>)
      %dma_wait3A = arith.constant 0 : i32
      %dma_wait3A_75 = tpu.memref_slice %arg2[%add3A_36, %dma_wait3A] : memref<1000000x3xf32, #tpu.memory_space<hbm>> -> memref<1008x3xf32, #tpu.memory_space<hbm>>
      %dma_wait3A_76 = arith.constant 0 : i32
      %dma_wait3A_77 = tpu.memref_slice %arg2[%add3A_36, %dma_wait3A_76] : memref<1000000x3xf32, #tpu.memory_space<hbm>> -> memref<1008x3xf32, #tpu.memory_space<hbm>>
      tpu.wait_dma2 semaphore(%run_scoped3A : memref<!tpu.dma_semaphore, #tpu.memory_space<semaphore_mem>>) src(%dma_wait3A_77 : memref<1008x3xf32, #tpu.memory_space<hbm>>) dst(%arg6 : memref<1008x3xf32, #tpu.memory_space<vmem>>)
      tpu.yield
    }) : () -> ()
    "tpu.region"() ({
      %run_scoped3A = tpu.sem_alloc : memref<!tpu.dma_semaphore, #tpu.memory_space<semaphore_mem>>
      %dma_start3A = arith.constant 0 : i32
      %dma_start3A_72 = tpu.memref_slice %arg5[%add3A_36, %dma_start3A] : memref<1000000x3xf32, #tpu.memory_space<hbm>> -> memref<1008x3xf32, #tpu.memory_space<hbm>>
      %dma_start3A_73 = arith.constant 0 : i32
      %dma_start3A_74 = tpu.memref_slice %arg5[%add3A_36, %dma_start3A_73] : memref<1000000x3xf32, #tpu.memory_space<hbm>> -> memref<1008x3xf32, #tpu.memory_space<hbm>>
      tpu.enqueue_dma source(%arg6 : memref<1008x3xf32, #tpu.memory_space<vmem>>) target(%dma_start3A_74 : memref<1008x3xf32, #tpu.memory_space<hbm>>) target_semaphore(%run_scoped3A : memref<!tpu.dma_semaphore, #tpu.memory_space<semaphore_mem>>)
      %dma_wait3A = arith.constant 0 : i32
      %dma_wait3A_75 = tpu.memref_slice %arg5[%add3A_36, %dma_wait3A] : memref<1000000x3xf32, #tpu.memory_space<hbm>> -> memref<1008x3xf32, #tpu.memory_space<hbm>>
      %dma_wait3A_76 = arith.constant 0 : i32
      %dma_wait3A_77 = tpu.memref_slice %arg5[%add3A_36, %dma_wait3A_76] : memref<1000000x3xf32, #tpu.memory_space<hbm>> -> memref<1008x3xf32, #tpu.memory_space<hbm>>
      tpu.wait_dma2 semaphore(%run_scoped3A : memref<!tpu.dma_semaphore, #tpu.memory_space<semaphore_mem>>) src(%arg6 : memref<1008x3xf32, #tpu.memory_space<vmem>>) dst(%dma_wait3A_77 : memref<1008x3xf32, #tpu.memory_space<hbm>>)
      tpu.yield
    }) : () -> ()
    %add3A_37 = arith.constant 17136 : i32
    %add3A_38 = arith.addi %mul3A_2, %add3A_37 : i32
    "tpu.region"() ({
      %run_scoped3A = tpu.sem_alloc : memref<!tpu.dma_semaphore, #tpu.memory_space<semaphore_mem>>
      %dma_start3A = arith.constant 0 : i32
      %dma_start3A_72 = tpu.memref_slice %arg2[%add3A_38, %dma_start3A] : memref<1000000x3xf32, #tpu.memory_space<hbm>> -> memref<1008x3xf32, #tpu.memory_space<hbm>>
      %dma_start3A_73 = arith.constant 0 : i32
      %dma_start3A_74 = tpu.memref_slice %arg2[%add3A_38, %dma_start3A_73] : memref<1000000x3xf32, #tpu.memory_space<hbm>> -> memref<1008x3xf32, #tpu.memory_space<hbm>>
      tpu.enqueue_dma source(%dma_start3A_74 : memref<1008x3xf32, #tpu.memory_space<hbm>>) target(%arg6 : memref<1008x3xf32, #tpu.memory_space<vmem>>) target_semaphore(%run_scoped3A : memref<!tpu.dma_semaphore, #tpu.memory_space<semaphore_mem>>)
      %dma_wait3A = arith.constant 0 : i32
      %dma_wait3A_75 = tpu.memref_slice %arg2[%add3A_38, %dma_wait3A] : memref<1000000x3xf32, #tpu.memory_space<hbm>> -> memref<1008x3xf32, #tpu.memory_space<hbm>>
      %dma_wait3A_76 = arith.constant 0 : i32
      %dma_wait3A_77 = tpu.memref_slice %arg2[%add3A_38, %dma_wait3A_76] : memref<1000000x3xf32, #tpu.memory_space<hbm>> -> memref<1008x3xf32, #tpu.memory_space<hbm>>
      tpu.wait_dma2 semaphore(%run_scoped3A : memref<!tpu.dma_semaphore, #tpu.memory_space<semaphore_mem>>) src(%dma_wait3A_77 : memref<1008x3xf32, #tpu.memory_space<hbm>>) dst(%arg6 : memref<1008x3xf32, #tpu.memory_space<vmem>>)
      tpu.yield
    }) : () -> ()
    "tpu.region"() ({
      %run_scoped3A = tpu.sem_alloc : memref<!tpu.dma_semaphore, #tpu.memory_space<semaphore_mem>>
      %dma_start3A = arith.constant 0 : i32
      %dma_start3A_72 = tpu.memref_slice %arg5[%add3A_38, %dma_start3A] : memref<1000000x3xf32, #tpu.memory_space<hbm>> -> memref<1008x3xf32, #tpu.memory_space<hbm>>
      %dma_start3A_73 = arith.constant 0 : i32
      %dma_start3A_74 = tpu.memref_slice %arg5[%add3A_38, %dma_start3A_73] : memref<1000000x3xf32, #tpu.memory_space<hbm>> -> memref<1008x3xf32, #tpu.memory_space<hbm>>
      tpu.enqueue_dma source(%arg6 : memref<1008x3xf32, #tpu.memory_space<vmem>>) target(%dma_start3A_74 : memref<1008x3xf32, #tpu.memory_space<hbm>>) target_semaphore(%run_scoped3A : memref<!tpu.dma_semaphore, #tpu.memory_space<semaphore_mem>>)
      %dma_wait3A = arith.constant 0 : i32
      %dma_wait3A_75 = tpu.memref_slice %arg5[%add3A_38, %dma_wait3A] : memref<1000000x3xf32, #tpu.memory_space<hbm>> -> memref<1008x3xf32, #tpu.memory_space<hbm>>
      %dma_wait3A_76 = arith.constant 0 : i32
      %dma_wait3A_77 = tpu.memref_slice %arg5[%add3A_38, %dma_wait3A_76] : memref<1000000x3xf32, #tpu.memory_space<hbm>> -> memref<1008x3xf32, #tpu.memory_space<hbm>>
      tpu.wait_dma2 semaphore(%run_scoped3A : memref<!tpu.dma_semaphore, #tpu.memory_space<semaphore_mem>>) src(%arg6 : memref<1008x3xf32, #tpu.memory_space<vmem>>) dst(%dma_wait3A_77 : memref<1008x3xf32, #tpu.memory_space<hbm>>)
      tpu.yield
    }) : () -> ()
    %add3A_39 = arith.constant 18144 : i32
    %add3A_40 = arith.addi %mul3A_2, %add3A_39 : i32
    "tpu.region"() ({
      %run_scoped3A = tpu.sem_alloc : memref<!tpu.dma_semaphore, #tpu.memory_space<semaphore_mem>>
      %dma_start3A = arith.constant 0 : i32
      %dma_start3A_72 = tpu.memref_slice %arg2[%add3A_40, %dma_start3A] : memref<1000000x3xf32, #tpu.memory_space<hbm>> -> memref<1008x3xf32, #tpu.memory_space<hbm>>
      %dma_start3A_73 = arith.constant 0 : i32
      %dma_start3A_74 = tpu.memref_slice %arg2[%add3A_40, %dma_start3A_73] : memref<1000000x3xf32, #tpu.memory_space<hbm>> -> memref<1008x3xf32, #tpu.memory_space<hbm>>
      tpu.enqueue_dma source(%dma_start3A_74 : memref<1008x3xf32, #tpu.memory_space<hbm>>) target(%arg6 : memref<1008x3xf32, #tpu.memory_space<vmem>>) target_semaphore(%run_scoped3A : memref<!tpu.dma_semaphore, #tpu.memory_space<semaphore_mem>>)
      %dma_wait3A = arith.constant 0 : i32
      %dma_wait3A_75 = tpu.memref_slice %arg2[%add3A_40, %dma_wait3A] : memref<1000000x3xf32, #tpu.memory_space<hbm>> -> memref<1008x3xf32, #tpu.memory_space<hbm>>
      %dma_wait3A_76 = arith.constant 0 : i32
      %dma_wait3A_77 = tpu.memref_slice %arg2[%add3A_40, %dma_wait3A_76] : memref<1000000x3xf32, #tpu.memory_space<hbm>> -> memref<1008x3xf32, #tpu.memory_space<hbm>>
      tpu.wait_dma2 semaphore(%run_scoped3A : memref<!tpu.dma_semaphore, #tpu.memory_space<semaphore_mem>>) src(%dma_wait3A_77 : memref<1008x3xf32, #tpu.memory_space<hbm>>) dst(%arg6 : memref<1008x3xf32, #tpu.memory_space<vmem>>)
      tpu.yield
    }) : () -> ()
    "tpu.region"() ({
      %run_scoped3A = tpu.sem_alloc : memref<!tpu.dma_semaphore, #tpu.memory_space<semaphore_mem>>
      %dma_start3A = arith.constant 0 : i32
      %dma_start3A_72 = tpu.memref_slice %arg5[%add3A_40, %dma_start3A] : memref<1000000x3xf32, #tpu.memory_space<hbm>> -> memref<1008x3xf32, #tpu.memory_space<hbm>>
      %dma_start3A_73 = arith.constant 0 : i32
      %dma_start3A_74 = tpu.memref_slice %arg5[%add3A_40, %dma_start3A_73] : memref<1000000x3xf32, #tpu.memory_space<hbm>> -> memref<1008x3xf32, #tpu.memory_space<hbm>>
      tpu.enqueue_dma source(%arg6 : memref<1008x3xf32, #tpu.memory_space<vmem>>) target(%dma_start3A_74 : memref<1008x3xf32, #tpu.memory_space<hbm>>) target_semaphore(%run_scoped3A : memref<!tpu.dma_semaphore, #tpu.memory_space<semaphore_mem>>)
      %dma_wait3A = arith.constant 0 : i32
      %dma_wait3A_75 = tpu.memref_slice %arg5[%add3A_40, %dma_wait3A] : memref<1000000x3xf32, #tpu.memory_space<hbm>> -> memref<1008x3xf32, #tpu.memory_space<hbm>>
      %dma_wait3A_76 = arith.constant 0 : i32
      %dma_wait3A_77 = tpu.memref_slice %arg5[%add3A_40, %dma_wait3A_76] : memref<1000000x3xf32, #tpu.memory_space<hbm>> -> memref<1008x3xf32, #tpu.memory_space<hbm>>
      tpu.wait_dma2 semaphore(%run_scoped3A : memref<!tpu.dma_semaphore, #tpu.memory_space<semaphore_mem>>) src(%arg6 : memref<1008x3xf32, #tpu.memory_space<vmem>>) dst(%dma_wait3A_77 : memref<1008x3xf32, #tpu.memory_space<hbm>>)
      tpu.yield
    }) : () -> ()
    %add3A_41 = arith.constant 19152 : i32
    %add3A_42 = arith.addi %mul3A_2, %add3A_41 : i32
    "tpu.region"() ({
      %run_scoped3A = tpu.sem_alloc : memref<!tpu.dma_semaphore, #tpu.memory_space<semaphore_mem>>
      %dma_start3A = arith.constant 0 : i32
      %dma_start3A_72 = tpu.memref_slice %arg2[%add3A_42, %dma_start3A] : memref<1000000x3xf32, #tpu.memory_space<hbm>> -> memref<1008x3xf32, #tpu.memory_space<hbm>>
      %dma_start3A_73 = arith.constant 0 : i32
      %dma_start3A_74 = tpu.memref_slice %arg2[%add3A_42, %dma_start3A_73] : memref<1000000x3xf32, #tpu.memory_space<hbm>> -> memref<1008x3xf32, #tpu.memory_space<hbm>>
      tpu.enqueue_dma source(%dma_start3A_74 : memref<1008x3xf32, #tpu.memory_space<hbm>>) target(%arg6 : memref<1008x3xf32, #tpu.memory_space<vmem>>) target_semaphore(%run_scoped3A : memref<!tpu.dma_semaphore, #tpu.memory_space<semaphore_mem>>)
      %dma_wait3A = arith.constant 0 : i32
      %dma_wait3A_75 = tpu.memref_slice %arg2[%add3A_42, %dma_wait3A] : memref<1000000x3xf32, #tpu.memory_space<hbm>> -> memref<1008x3xf32, #tpu.memory_space<hbm>>
      %dma_wait3A_76 = arith.constant 0 : i32
      %dma_wait3A_77 = tpu.memref_slice %arg2[%add3A_42, %dma_wait3A_76] : memref<1000000x3xf32, #tpu.memory_space<hbm>> -> memref<1008x3xf32, #tpu.memory_space<hbm>>
      tpu.wait_dma2 semaphore(%run_scoped3A : memref<!tpu.dma_semaphore, #tpu.memory_space<semaphore_mem>>) src(%dma_wait3A_77 : memref<1008x3xf32, #tpu.memory_space<hbm>>) dst(%arg6 : memref<1008x3xf32, #tpu.memory_space<vmem>>)
      tpu.yield
    }) : () -> ()
    "tpu.region"() ({
      %run_scoped3A = tpu.sem_alloc : memref<!tpu.dma_semaphore, #tpu.memory_space<semaphore_mem>>
      %dma_start3A = arith.constant 0 : i32
      %dma_start3A_72 = tpu.memref_slice %arg5[%add3A_42, %dma_start3A] : memref<1000000x3xf32, #tpu.memory_space<hbm>> -> memref<1008x3xf32, #tpu.memory_space<hbm>>
      %dma_start3A_73 = arith.constant 0 : i32
      %dma_start3A_74 = tpu.memref_slice %arg5[%add3A_42, %dma_start3A_73] : memref<1000000x3xf32, #tpu.memory_space<hbm>> -> memref<1008x3xf32, #tpu.memory_space<hbm>>
      tpu.enqueue_dma source(%arg6 : memref<1008x3xf32, #tpu.memory_space<vmem>>) target(%dma_start3A_74 : memref<1008x3xf32, #tpu.memory_space<hbm>>) target_semaphore(%run_scoped3A : memref<!tpu.dma_semaphore, #tpu.memory_space<semaphore_mem>>)
      %dma_wait3A = arith.constant 0 : i32
      %dma_wait3A_75 = tpu.memref_slice %arg5[%add3A_42, %dma_wait3A] : memref<1000000x3xf32, #tpu.memory_space<hbm>> -> memref<1008x3xf32, #tpu.memory_space<hbm>>
      %dma_wait3A_76 = arith.constant 0 : i32
      %dma_wait3A_77 = tpu.memref_slice %arg5[%add3A_42, %dma_wait3A_76] : memref<1000000x3xf32, #tpu.memory_space<hbm>> -> memref<1008x3xf32, #tpu.memory_space<hbm>>
      tpu.wait_dma2 semaphore(%run_scoped3A : memref<!tpu.dma_semaphore, #tpu.memory_space<semaphore_mem>>) src(%arg6 : memref<1008x3xf32, #tpu.memory_space<vmem>>) dst(%dma_wait3A_77 : memref<1008x3xf32, #tpu.memory_space<hbm>>)
      tpu.yield
    }) : () -> ()
    %add3A_43 = arith.constant 20160 : i32
    %add3A_44 = arith.addi %mul3A_2, %add3A_43 : i32
    "tpu.region"() ({
      %run_scoped3A = tpu.sem_alloc : memref<!tpu.dma_semaphore, #tpu.memory_space<semaphore_mem>>
      %dma_start3A = arith.constant 0 : i32
      %dma_start3A_72 = tpu.memref_slice %arg2[%add3A_44, %dma_start3A] : memref<1000000x3xf32, #tpu.memory_space<hbm>> -> memref<1008x3xf32, #tpu.memory_space<hbm>>
      %dma_start3A_73 = arith.constant 0 : i32
      %dma_start3A_74 = tpu.memref_slice %arg2[%add3A_44, %dma_start3A_73] : memref<1000000x3xf32, #tpu.memory_space<hbm>> -> memref<1008x3xf32, #tpu.memory_space<hbm>>
      tpu.enqueue_dma source(%dma_start3A_74 : memref<1008x3xf32, #tpu.memory_space<hbm>>) target(%arg6 : memref<1008x3xf32, #tpu.memory_space<vmem>>) target_semaphore(%run_scoped3A : memref<!tpu.dma_semaphore, #tpu.memory_space<semaphore_mem>>)
      %dma_wait3A = arith.constant 0 : i32
      %dma_wait3A_75 = tpu.memref_slice %arg2[%add3A_44, %dma_wait3A] : memref<1000000x3xf32, #tpu.memory_space<hbm>> -> memref<1008x3xf32, #tpu.memory_space<hbm>>
      %dma_wait3A_76 = arith.constant 0 : i32
      %dma_wait3A_77 = tpu.memref_slice %arg2[%add3A_44, %dma_wait3A_76] : memref<1000000x3xf32, #tpu.memory_space<hbm>> -> memref<1008x3xf32, #tpu.memory_space<hbm>>
      tpu.wait_dma2 semaphore(%run_scoped3A : memref<!tpu.dma_semaphore, #tpu.memory_space<semaphore_mem>>) src(%dma_wait3A_77 : memref<1008x3xf32, #tpu.memory_space<hbm>>) dst(%arg6 : memref<1008x3xf32, #tpu.memory_space<vmem>>)
      tpu.yield
    }) : () -> ()
    "tpu.region"() ({
      %run_scoped3A = tpu.sem_alloc : memref<!tpu.dma_semaphore, #tpu.memory_space<semaphore_mem>>
      %dma_start3A = arith.constant 0 : i32
      %dma_start3A_72 = tpu.memref_slice %arg5[%add3A_44, %dma_start3A] : memref<1000000x3xf32, #tpu.memory_space<hbm>> -> memref<1008x3xf32, #tpu.memory_space<hbm>>
      %dma_start3A_73 = arith.constant 0 : i32
      %dma_start3A_74 = tpu.memref_slice %arg5[%add3A_44, %dma_start3A_73] : memref<1000000x3xf32, #tpu.memory_space<hbm>> -> memref<1008x3xf32, #tpu.memory_space<hbm>>
      tpu.enqueue_dma source(%arg6 : memref<1008x3xf32, #tpu.memory_space<vmem>>) target(%dma_start3A_74 : memref<1008x3xf32, #tpu.memory_space<hbm>>) target_semaphore(%run_scoped3A : memref<!tpu.dma_semaphore, #tpu.memory_space<semaphore_mem>>)
      %dma_wait3A = arith.constant 0 : i32
      %dma_wait3A_75 = tpu.memref_slice %arg5[%add3A_44, %dma_wait3A] : memref<1000000x3xf32, #tpu.memory_space<hbm>> -> memref<1008x3xf32, #tpu.memory_space<hbm>>
      %dma_wait3A_76 = arith.constant 0 : i32
      %dma_wait3A_77 = tpu.memref_slice %arg5[%add3A_44, %dma_wait3A_76] : memref<1000000x3xf32, #tpu.memory_space<hbm>> -> memref<1008x3xf32, #tpu.memory_space<hbm>>
      tpu.wait_dma2 semaphore(%run_scoped3A : memref<!tpu.dma_semaphore, #tpu.memory_space<semaphore_mem>>) src(%arg6 : memref<1008x3xf32, #tpu.memory_space<vmem>>) dst(%dma_wait3A_77 : memref<1008x3xf32, #tpu.memory_space<hbm>>)
      tpu.yield
    }) : () -> ()
    %add3A_45 = arith.constant 21168 : i32
    %add3A_46 = arith.addi %mul3A_2, %add3A_45 : i32
    "tpu.region"() ({
      %run_scoped3A = tpu.sem_alloc : memref<!tpu.dma_semaphore, #tpu.memory_space<semaphore_mem>>
      %dma_start3A = arith.constant 0 : i32
      %dma_start3A_72 = tpu.memref_slice %arg2[%add3A_46, %dma_start3A] : memref<1000000x3xf32, #tpu.memory_space<hbm>> -> memref<1008x3xf32, #tpu.memory_space<hbm>>
      %dma_start3A_73 = arith.constant 0 : i32
      %dma_start3A_74 = tpu.memref_slice %arg2[%add3A_46, %dma_start3A_73] : memref<1000000x3xf32, #tpu.memory_space<hbm>> -> memref<1008x3xf32, #tpu.memory_space<hbm>>
      tpu.enqueue_dma source(%dma_start3A_74 : memref<1008x3xf32, #tpu.memory_space<hbm>>) target(%arg6 : memref<1008x3xf32, #tpu.memory_space<vmem>>) target_semaphore(%run_scoped3A : memref<!tpu.dma_semaphore, #tpu.memory_space<semaphore_mem>>)
      %dma_wait3A = arith.constant 0 : i32
      %dma_wait3A_75 = tpu.memref_slice %arg2[%add3A_46, %dma_wait3A] : memref<1000000x3xf32, #tpu.memory_space<hbm>> -> memref<1008x3xf32, #tpu.memory_space<hbm>>
      %dma_wait3A_76 = arith.constant 0 : i32
      %dma_wait3A_77 = tpu.memref_slice %arg2[%add3A_46, %dma_wait3A_76] : memref<1000000x3xf32, #tpu.memory_space<hbm>> -> memref<1008x3xf32, #tpu.memory_space<hbm>>
      tpu.wait_dma2 semaphore(%run_scoped3A : memref<!tpu.dma_semaphore, #tpu.memory_space<semaphore_mem>>) src(%dma_wait3A_77 : memref<1008x3xf32, #tpu.memory_space<hbm>>) dst(%arg6 : memref<1008x3xf32, #tpu.memory_space<vmem>>)
      tpu.yield
    }) : () -> ()
    "tpu.region"() ({
      %run_scoped3A = tpu.sem_alloc : memref<!tpu.dma_semaphore, #tpu.memory_space<semaphore_mem>>
      %dma_start3A = arith.constant 0 : i32
      %dma_start3A_72 = tpu.memref_slice %arg5[%add3A_46, %dma_start3A] : memref<1000000x3xf32, #tpu.memory_space<hbm>> -> memref<1008x3xf32, #tpu.memory_space<hbm>>
      %dma_start3A_73 = arith.constant 0 : i32
      %dma_start3A_74 = tpu.memref_slice %arg5[%add3A_46, %dma_start3A_73] : memref<1000000x3xf32, #tpu.memory_space<hbm>> -> memref<1008x3xf32, #tpu.memory_space<hbm>>
      tpu.enqueue_dma source(%arg6 : memref<1008x3xf32, #tpu.memory_space<vmem>>) target(%dma_start3A_74 : memref<1008x3xf32, #tpu.memory_space<hbm>>) target_semaphore(%run_scoped3A : memref<!tpu.dma_semaphore, #tpu.memory_space<semaphore_mem>>)
      %dma_wait3A = arith.constant 0 : i32
      %dma_wait3A_75 = tpu.memref_slice %arg5[%add3A_46, %dma_wait3A] : memref<1000000x3xf32, #tpu.memory_space<hbm>> -> memref<1008x3xf32, #tpu.memory_space<hbm>>
      %dma_wait3A_76 = arith.constant 0 : i32
      %dma_wait3A_77 = tpu.memref_slice %arg5[%add3A_46, %dma_wait3A_76] : memref<1000000x3xf32, #tpu.memory_space<hbm>> -> memref<1008x3xf32, #tpu.memory_space<hbm>>
      tpu.wait_dma2 semaphore(%run_scoped3A : memref<!tpu.dma_semaphore, #tpu.memory_space<semaphore_mem>>) src(%arg6 : memref<1008x3xf32, #tpu.memory_space<vmem>>) dst(%dma_wait3A_77 : memref<1008x3xf32, #tpu.memory_space<hbm>>)
      tpu.yield
    }) : () -> ()
    %add3A_47 = arith.constant 22176 : i32
    %add3A_48 = arith.addi %mul3A_2, %add3A_47 : i32
    "tpu.region"() ({
      %run_scoped3A = tpu.sem_alloc : memref<!tpu.dma_semaphore, #tpu.memory_space<semaphore_mem>>
      %dma_start3A = arith.constant 0 : i32
      %dma_start3A_72 = tpu.memref_slice %arg2[%add3A_48, %dma_start3A] : memref<1000000x3xf32, #tpu.memory_space<hbm>> -> memref<1008x3xf32, #tpu.memory_space<hbm>>
      %dma_start3A_73 = arith.constant 0 : i32
      %dma_start3A_74 = tpu.memref_slice %arg2[%add3A_48, %dma_start3A_73] : memref<1000000x3xf32, #tpu.memory_space<hbm>> -> memref<1008x3xf32, #tpu.memory_space<hbm>>
      tpu.enqueue_dma source(%dma_start3A_74 : memref<1008x3xf32, #tpu.memory_space<hbm>>) target(%arg6 : memref<1008x3xf32, #tpu.memory_space<vmem>>) target_semaphore(%run_scoped3A : memref<!tpu.dma_semaphore, #tpu.memory_space<semaphore_mem>>)
      %dma_wait3A = arith.constant 0 : i32
      %dma_wait3A_75 = tpu.memref_slice %arg2[%add3A_48, %dma_wait3A] : memref<1000000x3xf32, #tpu.memory_space<hbm>> -> memref<1008x3xf32, #tpu.memory_space<hbm>>
      %dma_wait3A_76 = arith.constant 0 : i32
      %dma_wait3A_77 = tpu.memref_slice %arg2[%add3A_48, %dma_wait3A_76] : memref<1000000x3xf32, #tpu.memory_space<hbm>> -> memref<1008x3xf32, #tpu.memory_space<hbm>>
      tpu.wait_dma2 semaphore(%run_scoped3A : memref<!tpu.dma_semaphore, #tpu.memory_space<semaphore_mem>>) src(%dma_wait3A_77 : memref<1008x3xf32, #tpu.memory_space<hbm>>) dst(%arg6 : memref<1008x3xf32, #tpu.memory_space<vmem>>)
      tpu.yield
    }) : () -> ()
    "tpu.region"() ({
      %run_scoped3A = tpu.sem_alloc : memref<!tpu.dma_semaphore, #tpu.memory_space<semaphore_mem>>
      %dma_start3A = arith.constant 0 : i32
      %dma_start3A_72 = tpu.memref_slice %arg5[%add3A_48, %dma_start3A] : memref<1000000x3xf32, #tpu.memory_space<hbm>> -> memref<1008x3xf32, #tpu.memory_space<hbm>>
      %dma_start3A_73 = arith.constant 0 : i32
      %dma_start3A_74 = tpu.memref_slice %arg5[%add3A_48, %dma_start3A_73] : memref<1000000x3xf32, #tpu.memory_space<hbm>> -> memref<1008x3xf32, #tpu.memory_space<hbm>>
      tpu.enqueue_dma source(%arg6 : memref<1008x3xf32, #tpu.memory_space<vmem>>) target(%dma_start3A_74 : memref<1008x3xf32, #tpu.memory_space<hbm>>) target_semaphore(%run_scoped3A : memref<!tpu.dma_semaphore, #tpu.memory_space<semaphore_mem>>)
      %dma_wait3A = arith.constant 0 : i32
      %dma_wait3A_75 = tpu.memref_slice %arg5[%add3A_48, %dma_wait3A] : memref<1000000x3xf32, #tpu.memory_space<hbm>> -> memref<1008x3xf32, #tpu.memory_space<hbm>>
      %dma_wait3A_76 = arith.constant 0 : i32
      %dma_wait3A_77 = tpu.memref_slice %arg5[%add3A_48, %dma_wait3A_76] : memref<1000000x3xf32, #tpu.memory_space<hbm>> -> memref<1008x3xf32, #tpu.memory_space<hbm>>
      tpu.wait_dma2 semaphore(%run_scoped3A : memref<!tpu.dma_semaphore, #tpu.memory_space<semaphore_mem>>) src(%arg6 : memref<1008x3xf32, #tpu.memory_space<vmem>>) dst(%dma_wait3A_77 : memref<1008x3xf32, #tpu.memory_space<hbm>>)
      tpu.yield
    }) : () -> ()
    %add3A_49 = arith.constant 23184 : i32
    %add3A_50 = arith.addi %mul3A_2, %add3A_49 : i32
    "tpu.region"() ({
      %run_scoped3A = tpu.sem_alloc : memref<!tpu.dma_semaphore, #tpu.memory_space<semaphore_mem>>
      %dma_start3A = arith.constant 0 : i32
      %dma_start3A_72 = tpu.memref_slice %arg2[%add3A_50, %dma_start3A] : memref<1000000x3xf32, #tpu.memory_space<hbm>> -> memref<1008x3xf32, #tpu.memory_space<hbm>>
      %dma_start3A_73 = arith.constant 0 : i32
      %dma_start3A_74 = tpu.memref_slice %arg2[%add3A_50, %dma_start3A_73] : memref<1000000x3xf32, #tpu.memory_space<hbm>> -> memref<1008x3xf32, #tpu.memory_space<hbm>>
      tpu.enqueue_dma source(%dma_start3A_74 : memref<1008x3xf32, #tpu.memory_space<hbm>>) target(%arg6 : memref<1008x3xf32, #tpu.memory_space<vmem>>) target_semaphore(%run_scoped3A : memref<!tpu.dma_semaphore, #tpu.memory_space<semaphore_mem>>)
      %dma_wait3A = arith.constant 0 : i32
      %dma_wait3A_75 = tpu.memref_slice %arg2[%add3A_50, %dma_wait3A] : memref<1000000x3xf32, #tpu.memory_space<hbm>> -> memref<1008x3xf32, #tpu.memory_space<hbm>>
      %dma_wait3A_76 = arith.constant 0 : i32
      %dma_wait3A_77 = tpu.memref_slice %arg2[%add3A_50, %dma_wait3A_76] : memref<1000000x3xf32, #tpu.memory_space<hbm>> -> memref<1008x3xf32, #tpu.memory_space<hbm>>
      tpu.wait_dma2 semaphore(%run_scoped3A : memref<!tpu.dma_semaphore, #tpu.memory_space<semaphore_mem>>) src(%dma_wait3A_77 : memref<1008x3xf32, #tpu.memory_space<hbm>>) dst(%arg6 : memref<1008x3xf32, #tpu.memory_space<vmem>>)
      tpu.yield
    }) : () -> ()
    "tpu.region"() ({
      %run_scoped3A = tpu.sem_alloc : memref<!tpu.dma_semaphore, #tpu.memory_space<semaphore_mem>>
      %dma_start3A = arith.constant 0 : i32
      %dma_start3A_72 = tpu.memref_slice %arg5[%add3A_50, %dma_start3A] : memref<1000000x3xf32, #tpu.memory_space<hbm>> -> memref<1008x3xf32, #tpu.memory_space<hbm>>
      %dma_start3A_73 = arith.constant 0 : i32
      %dma_start3A_74 = tpu.memref_slice %arg5[%add3A_50, %dma_start3A_73] : memref<1000000x3xf32, #tpu.memory_space<hbm>> -> memref<1008x3xf32, #tpu.memory_space<hbm>>
      tpu.enqueue_dma source(%arg6 : memref<1008x3xf32, #tpu.memory_space<vmem>>) target(%dma_start3A_74 : memref<1008x3xf32, #tpu.memory_space<hbm>>) target_semaphore(%run_scoped3A : memref<!tpu.dma_semaphore, #tpu.memory_space<semaphore_mem>>)
      %dma_wait3A = arith.constant 0 : i32
      %dma_wait3A_75 = tpu.memref_slice %arg5[%add3A_50, %dma_wait3A] : memref<1000000x3xf32, #tpu.memory_space<hbm>> -> memref<1008x3xf32, #tpu.memory_space<hbm>>
      %dma_wait3A_76 = arith.constant 0 : i32
      %dma_wait3A_77 = tpu.memref_slice %arg5[%add3A_50, %dma_wait3A_76] : memref<1000000x3xf32, #tpu.memory_space<hbm>> -> memref<1008x3xf32, #tpu.memory_space<hbm>>
      tpu.wait_dma2 semaphore(%run_scoped3A : memref<!tpu.dma_semaphore, #tpu.memory_space<semaphore_mem>>) src(%arg6 : memref<1008x3xf32, #tpu.memory_space<vmem>>) dst(%dma_wait3A_77 : memref<1008x3xf32, #tpu.memory_space<hbm>>)
      tpu.yield
    }) : () -> ()
    %add3A_51 = arith.constant 24192 : i32
    %add3A_52 = arith.addi %mul3A_2, %add3A_51 : i32
    "tpu.region"() ({
      %run_scoped3A = tpu.sem_alloc : memref<!tpu.dma_semaphore, #tpu.memory_space<semaphore_mem>>
      %dma_start3A = arith.constant 0 : i32
      %dma_start3A_72 = tpu.memref_slice %arg2[%add3A_52, %dma_start3A] : memref<1000000x3xf32, #tpu.memory_space<hbm>> -> memref<1008x3xf32, #tpu.memory_space<hbm>>
      %dma_start3A_73 = arith.constant 0 : i32
      %dma_start3A_74 = tpu.memref_slice %arg2[%add3A_52, %dma_start3A_73] : memref<1000000x3xf32, #tpu.memory_space<hbm>> -> memref<1008x3xf32, #tpu.memory_space<hbm>>
      tpu.enqueue_dma source(%dma_start3A_74 : memref<1008x3xf32, #tpu.memory_space<hbm>>) target(%arg6 : memref<1008x3xf32, #tpu.memory_space<vmem>>) target_semaphore(%run_scoped3A : memref<!tpu.dma_semaphore, #tpu.memory_space<semaphore_mem>>)
      %dma_wait3A = arith.constant 0 : i32
      %dma_wait3A_75 = tpu.memref_slice %arg2[%add3A_52, %dma_wait3A] : memref<1000000x3xf32, #tpu.memory_space<hbm>> -> memref<1008x3xf32, #tpu.memory_space<hbm>>
      %dma_wait3A_76 = arith.constant 0 : i32
      %dma_wait3A_77 = tpu.memref_slice %arg2[%add3A_52, %dma_wait3A_76] : memref<1000000x3xf32, #tpu.memory_space<hbm>> -> memref<1008x3xf32, #tpu.memory_space<hbm>>
      tpu.wait_dma2 semaphore(%run_scoped3A : memref<!tpu.dma_semaphore, #tpu.memory_space<semaphore_mem>>) src(%dma_wait3A_77 : memref<1008x3xf32, #tpu.memory_space<hbm>>) dst(%arg6 : memref<1008x3xf32, #tpu.memory_space<vmem>>)
      tpu.yield
    }) : () -> ()
    "tpu.region"() ({
      %run_scoped3A = tpu.sem_alloc : memref<!tpu.dma_semaphore, #tpu.memory_space<semaphore_mem>>
      %dma_start3A = arith.constant 0 : i32
      %dma_start3A_72 = tpu.memref_slice %arg5[%add3A_52, %dma_start3A] : memref<1000000x3xf32, #tpu.memory_space<hbm>> -> memref<1008x3xf32, #tpu.memory_space<hbm>>
      %dma_start3A_73 = arith.constant 0 : i32
      %dma_start3A_74 = tpu.memref_slice %arg5[%add3A_52, %dma_start3A_73] : memref<1000000x3xf32, #tpu.memory_space<hbm>> -> memref<1008x3xf32, #tpu.memory_space<hbm>>
      tpu.enqueue_dma source(%arg6 : memref<1008x3xf32, #tpu.memory_space<vmem>>) target(%dma_start3A_74 : memref<1008x3xf32, #tpu.memory_space<hbm>>) target_semaphore(%run_scoped3A : memref<!tpu.dma_semaphore, #tpu.memory_space<semaphore_mem>>)
      %dma_wait3A = arith.constant 0 : i32
      %dma_wait3A_75 = tpu.memref_slice %arg5[%add3A_52, %dma_wait3A] : memref<1000000x3xf32, #tpu.memory_space<hbm>> -> memref<1008x3xf32, #tpu.memory_space<hbm>>
      %dma_wait3A_76 = arith.constant 0 : i32
      %dma_wait3A_77 = tpu.memref_slice %arg5[%add3A_52, %dma_wait3A_76] : memref<1000000x3xf32, #tpu.memory_space<hbm>> -> memref<1008x3xf32, #tpu.memory_space<hbm>>
      tpu.wait_dma2 semaphore(%run_scoped3A : memref<!tpu.dma_semaphore, #tpu.memory_space<semaphore_mem>>) src(%arg6 : memref<1008x3xf32, #tpu.memory_space<vmem>>) dst(%dma_wait3A_77 : memref<1008x3xf32, #tpu.memory_space<hbm>>)
      tpu.yield
    }) : () -> ()
    %add3A_53 = arith.constant 25200 : i32
    %add3A_54 = arith.addi %mul3A_2, %add3A_53 : i32
    "tpu.region"() ({
      %run_scoped3A = tpu.sem_alloc : memref<!tpu.dma_semaphore, #tpu.memory_space<semaphore_mem>>
      %dma_start3A = arith.constant 0 : i32
      %dma_start3A_72 = tpu.memref_slice %arg2[%add3A_54, %dma_start3A] : memref<1000000x3xf32, #tpu.memory_space<hbm>> -> memref<1008x3xf32, #tpu.memory_space<hbm>>
      %dma_start3A_73 = arith.constant 0 : i32
      %dma_start3A_74 = tpu.memref_slice %arg2[%add3A_54, %dma_start3A_73] : memref<1000000x3xf32, #tpu.memory_space<hbm>> -> memref<1008x3xf32, #tpu.memory_space<hbm>>
      tpu.enqueue_dma source(%dma_start3A_74 : memref<1008x3xf32, #tpu.memory_space<hbm>>) target(%arg6 : memref<1008x3xf32, #tpu.memory_space<vmem>>) target_semaphore(%run_scoped3A : memref<!tpu.dma_semaphore, #tpu.memory_space<semaphore_mem>>)
      %dma_wait3A = arith.constant 0 : i32
      %dma_wait3A_75 = tpu.memref_slice %arg2[%add3A_54, %dma_wait3A] : memref<1000000x3xf32, #tpu.memory_space<hbm>> -> memref<1008x3xf32, #tpu.memory_space<hbm>>
      %dma_wait3A_76 = arith.constant 0 : i32
      %dma_wait3A_77 = tpu.memref_slice %arg2[%add3A_54, %dma_wait3A_76] : memref<1000000x3xf32, #tpu.memory_space<hbm>> -> memref<1008x3xf32, #tpu.memory_space<hbm>>
      tpu.wait_dma2 semaphore(%run_scoped3A : memref<!tpu.dma_semaphore, #tpu.memory_space<semaphore_mem>>) src(%dma_wait3A_77 : memref<1008x3xf32, #tpu.memory_space<hbm>>) dst(%arg6 : memref<1008x3xf32, #tpu.memory_space<vmem>>)
      tpu.yield
    }) : () -> ()
    "tpu.region"() ({
      %run_scoped3A = tpu.sem_alloc : memref<!tpu.dma_semaphore, #tpu.memory_space<semaphore_mem>>
      %dma_start3A = arith.constant 0 : i32
      %dma_start3A_72 = tpu.memref_slice %arg5[%add3A_54, %dma_start3A] : memref<1000000x3xf32, #tpu.memory_space<hbm>> -> memref<1008x3xf32, #tpu.memory_space<hbm>>
      %dma_start3A_73 = arith.constant 0 : i32
      %dma_start3A_74 = tpu.memref_slice %arg5[%add3A_54, %dma_start3A_73] : memref<1000000x3xf32, #tpu.memory_space<hbm>> -> memref<1008x3xf32, #tpu.memory_space<hbm>>
      tpu.enqueue_dma source(%arg6 : memref<1008x3xf32, #tpu.memory_space<vmem>>) target(%dma_start3A_74 : memref<1008x3xf32, #tpu.memory_space<hbm>>) target_semaphore(%run_scoped3A : memref<!tpu.dma_semaphore, #tpu.memory_space<semaphore_mem>>)
      %dma_wait3A = arith.constant 0 : i32
      %dma_wait3A_75 = tpu.memref_slice %arg5[%add3A_54, %dma_wait3A] : memref<1000000x3xf32, #tpu.memory_space<hbm>> -> memref<1008x3xf32, #tpu.memory_space<hbm>>
      %dma_wait3A_76 = arith.constant 0 : i32
      %dma_wait3A_77 = tpu.memref_slice %arg5[%add3A_54, %dma_wait3A_76] : memref<1000000x3xf32, #tpu.memory_space<hbm>> -> memref<1008x3xf32, #tpu.memory_space<hbm>>
      tpu.wait_dma2 semaphore(%run_scoped3A : memref<!tpu.dma_semaphore, #tpu.memory_space<semaphore_mem>>) src(%arg6 : memref<1008x3xf32, #tpu.memory_space<vmem>>) dst(%dma_wait3A_77 : memref<1008x3xf32, #tpu.memory_space<hbm>>)
      tpu.yield
    }) : () -> ()
    %add3A_55 = arith.constant 26208 : i32
    %add3A_56 = arith.addi %mul3A_2, %add3A_55 : i32
    "tpu.region"() ({
      %run_scoped3A = tpu.sem_alloc : memref<!tpu.dma_semaphore, #tpu.memory_space<semaphore_mem>>
      %dma_start3A = arith.constant 0 : i32
      %dma_start3A_72 = tpu.memref_slice %arg2[%add3A_56, %dma_start3A] : memref<1000000x3xf32, #tpu.memory_space<hbm>> -> memref<1008x3xf32, #tpu.memory_space<hbm>>
      %dma_start3A_73 = arith.constant 0 : i32
      %dma_start3A_74 = tpu.memref_slice %arg2[%add3A_56, %dma_start3A_73] : memref<1000000x3xf32, #tpu.memory_space<hbm>> -> memref<1008x3xf32, #tpu.memory_space<hbm>>
      tpu.enqueue_dma source(%dma_start3A_74 : memref<1008x3xf32, #tpu.memory_space<hbm>>) target(%arg6 : memref<1008x3xf32, #tpu.memory_space<vmem>>) target_semaphore(%run_scoped3A : memref<!tpu.dma_semaphore, #tpu.memory_space<semaphore_mem>>)
      %dma_wait3A = arith.constant 0 : i32
      %dma_wait3A_75 = tpu.memref_slice %arg2[%add3A_56, %dma_wait3A] : memref<1000000x3xf32, #tpu.memory_space<hbm>> -> memref<1008x3xf32, #tpu.memory_space<hbm>>
      %dma_wait3A_76 = arith.constant 0 : i32
      %dma_wait3A_77 = tpu.memref_slice %arg2[%add3A_56, %dma_wait3A_76] : memref<1000000x3xf32, #tpu.memory_space<hbm>> -> memref<1008x3xf32, #tpu.memory_space<hbm>>
      tpu.wait_dma2 semaphore(%run_scoped3A : memref<!tpu.dma_semaphore, #tpu.memory_space<semaphore_mem>>) src(%dma_wait3A_77 : memref<1008x3xf32, #tpu.memory_space<hbm>>) dst(%arg6 : memref<1008x3xf32, #tpu.memory_space<vmem>>)
      tpu.yield
    }) : () -> ()
    "tpu.region"() ({
      %run_scoped3A = tpu.sem_alloc : memref<!tpu.dma_semaphore, #tpu.memory_space<semaphore_mem>>
      %dma_start3A = arith.constant 0 : i32
      %dma_start3A_72 = tpu.memref_slice %arg5[%add3A_56, %dma_start3A] : memref<1000000x3xf32, #tpu.memory_space<hbm>> -> memref<1008x3xf32, #tpu.memory_space<hbm>>
      %dma_start3A_73 = arith.constant 0 : i32
      %dma_start3A_74 = tpu.memref_slice %arg5[%add3A_56, %dma_start3A_73] : memref<1000000x3xf32, #tpu.memory_space<hbm>> -> memref<1008x3xf32, #tpu.memory_space<hbm>>
      tpu.enqueue_dma source(%arg6 : memref<1008x3xf32, #tpu.memory_space<vmem>>) target(%dma_start3A_74 : memref<1008x3xf32, #tpu.memory_space<hbm>>) target_semaphore(%run_scoped3A : memref<!tpu.dma_semaphore, #tpu.memory_space<semaphore_mem>>)
      %dma_wait3A = arith.constant 0 : i32
      %dma_wait3A_75 = tpu.memref_slice %arg5[%add3A_56, %dma_wait3A] : memref<1000000x3xf32, #tpu.memory_space<hbm>> -> memref<1008x3xf32, #tpu.memory_space<hbm>>
      %dma_wait3A_76 = arith.constant 0 : i32
      %dma_wait3A_77 = tpu.memref_slice %arg5[%add3A_56, %dma_wait3A_76] : memref<1000000x3xf32, #tpu.memory_space<hbm>> -> memref<1008x3xf32, #tpu.memory_space<hbm>>
      tpu.wait_dma2 semaphore(%run_scoped3A : memref<!tpu.dma_semaphore, #tpu.memory_space<semaphore_mem>>) src(%arg6 : memref<1008x3xf32, #tpu.memory_space<vmem>>) dst(%dma_wait3A_77 : memref<1008x3xf32, #tpu.memory_space<hbm>>)
      tpu.yield
    }) : () -> ()
    %add3A_57 = arith.constant 27216 : i32
    %add3A_58 = arith.addi %mul3A_2, %add3A_57 : i32
    "tpu.region"() ({
      %run_scoped3A = tpu.sem_alloc : memref<!tpu.dma_semaphore, #tpu.memory_space<semaphore_mem>>
      %dma_start3A = arith.constant 0 : i32
      %dma_start3A_72 = tpu.memref_slice %arg2[%add3A_58, %dma_start3A] : memref<1000000x3xf32, #tpu.memory_space<hbm>> -> memref<1008x3xf32, #tpu.memory_space<hbm>>
      %dma_start3A_73 = arith.constant 0 : i32
      %dma_start3A_74 = tpu.memref_slice %arg2[%add3A_58, %dma_start3A_73] : memref<1000000x3xf32, #tpu.memory_space<hbm>> -> memref<1008x3xf32, #tpu.memory_space<hbm>>
      tpu.enqueue_dma source(%dma_start3A_74 : memref<1008x3xf32, #tpu.memory_space<hbm>>) target(%arg6 : memref<1008x3xf32, #tpu.memory_space<vmem>>) target_semaphore(%run_scoped3A : memref<!tpu.dma_semaphore, #tpu.memory_space<semaphore_mem>>)
      %dma_wait3A = arith.constant 0 : i32
      %dma_wait3A_75 = tpu.memref_slice %arg2[%add3A_58, %dma_wait3A] : memref<1000000x3xf32, #tpu.memory_space<hbm>> -> memref<1008x3xf32, #tpu.memory_space<hbm>>
      %dma_wait3A_76 = arith.constant 0 : i32
      %dma_wait3A_77 = tpu.memref_slice %arg2[%add3A_58, %dma_wait3A_76] : memref<1000000x3xf32, #tpu.memory_space<hbm>> -> memref<1008x3xf32, #tpu.memory_space<hbm>>
      tpu.wait_dma2 semaphore(%run_scoped3A : memref<!tpu.dma_semaphore, #tpu.memory_space<semaphore_mem>>) src(%dma_wait3A_77 : memref<1008x3xf32, #tpu.memory_space<hbm>>) dst(%arg6 : memref<1008x3xf32, #tpu.memory_space<vmem>>)
      tpu.yield
    }) : () -> ()
    "tpu.region"() ({
      %run_scoped3A = tpu.sem_alloc : memref<!tpu.dma_semaphore, #tpu.memory_space<semaphore_mem>>
      %dma_start3A = arith.constant 0 : i32
      %dma_start3A_72 = tpu.memref_slice %arg5[%add3A_58, %dma_start3A] : memref<1000000x3xf32, #tpu.memory_space<hbm>> -> memref<1008x3xf32, #tpu.memory_space<hbm>>
      %dma_start3A_73 = arith.constant 0 : i32
      %dma_start3A_74 = tpu.memref_slice %arg5[%add3A_58, %dma_start3A_73] : memref<1000000x3xf32, #tpu.memory_space<hbm>> -> memref<1008x3xf32, #tpu.memory_space<hbm>>
      tpu.enqueue_dma source(%arg6 : memref<1008x3xf32, #tpu.memory_space<vmem>>) target(%dma_start3A_74 : memref<1008x3xf32, #tpu.memory_space<hbm>>) target_semaphore(%run_scoped3A : memref<!tpu.dma_semaphore, #tpu.memory_space<semaphore_mem>>)
      %dma_wait3A = arith.constant 0 : i32
      %dma_wait3A_75 = tpu.memref_slice %arg5[%add3A_58, %dma_wait3A] : memref<1000000x3xf32, #tpu.memory_space<hbm>> -> memref<1008x3xf32, #tpu.memory_space<hbm>>
      %dma_wait3A_76 = arith.constant 0 : i32
      %dma_wait3A_77 = tpu.memref_slice %arg5[%add3A_58, %dma_wait3A_76] : memref<1000000x3xf32, #tpu.memory_space<hbm>> -> memref<1008x3xf32, #tpu.memory_space<hbm>>
      tpu.wait_dma2 semaphore(%run_scoped3A : memref<!tpu.dma_semaphore, #tpu.memory_space<semaphore_mem>>) src(%arg6 : memref<1008x3xf32, #tpu.memory_space<vmem>>) dst(%dma_wait3A_77 : memref<1008x3xf32, #tpu.memory_space<hbm>>)
      tpu.yield
    }) : () -> ()
    %add3A_59 = arith.constant 28224 : i32
    %add3A_60 = arith.addi %mul3A_2, %add3A_59 : i32
    "tpu.region"() ({
      %run_scoped3A = tpu.sem_alloc : memref<!tpu.dma_semaphore, #tpu.memory_space<semaphore_mem>>
      %dma_start3A = arith.constant 0 : i32
      %dma_start3A_72 = tpu.memref_slice %arg2[%add3A_60, %dma_start3A] : memref<1000000x3xf32, #tpu.memory_space<hbm>> -> memref<1008x3xf32, #tpu.memory_space<hbm>>
      %dma_start3A_73 = arith.constant 0 : i32
      %dma_start3A_74 = tpu.memref_slice %arg2[%add3A_60, %dma_start3A_73] : memref<1000000x3xf32, #tpu.memory_space<hbm>> -> memref<1008x3xf32, #tpu.memory_space<hbm>>
      tpu.enqueue_dma source(%dma_start3A_74 : memref<1008x3xf32, #tpu.memory_space<hbm>>) target(%arg6 : memref<1008x3xf32, #tpu.memory_space<vmem>>) target_semaphore(%run_scoped3A : memref<!tpu.dma_semaphore, #tpu.memory_space<semaphore_mem>>)
      %dma_wait3A = arith.constant 0 : i32
      %dma_wait3A_75 = tpu.memref_slice %arg2[%add3A_60, %dma_wait3A] : memref<1000000x3xf32, #tpu.memory_space<hbm>> -> memref<1008x3xf32, #tpu.memory_space<hbm>>
      %dma_wait3A_76 = arith.constant 0 : i32
      %dma_wait3A_77 = tpu.memref_slice %arg2[%add3A_60, %dma_wait3A_76] : memref<1000000x3xf32, #tpu.memory_space<hbm>> -> memref<1008x3xf32, #tpu.memory_space<hbm>>
      tpu.wait_dma2 semaphore(%run_scoped3A : memref<!tpu.dma_semaphore, #tpu.memory_space<semaphore_mem>>) src(%dma_wait3A_77 : memref<1008x3xf32, #tpu.memory_space<hbm>>) dst(%arg6 : memref<1008x3xf32, #tpu.memory_space<vmem>>)
      tpu.yield
    }) : () -> ()
    "tpu.region"() ({
      %run_scoped3A = tpu.sem_alloc : memref<!tpu.dma_semaphore, #tpu.memory_space<semaphore_mem>>
      %dma_start3A = arith.constant 0 : i32
      %dma_start3A_72 = tpu.memref_slice %arg5[%add3A_60, %dma_start3A] : memref<1000000x3xf32, #tpu.memory_space<hbm>> -> memref<1008x3xf32, #tpu.memory_space<hbm>>
      %dma_start3A_73 = arith.constant 0 : i32
      %dma_start3A_74 = tpu.memref_slice %arg5[%add3A_60, %dma_start3A_73] : memref<1000000x3xf32, #tpu.memory_space<hbm>> -> memref<1008x3xf32, #tpu.memory_space<hbm>>
      tpu.enqueue_dma source(%arg6 : memref<1008x3xf32, #tpu.memory_space<vmem>>) target(%dma_start3A_74 : memref<1008x3xf32, #tpu.memory_space<hbm>>) target_semaphore(%run_scoped3A : memref<!tpu.dma_semaphore, #tpu.memory_space<semaphore_mem>>)
      %dma_wait3A = arith.constant 0 : i32
      %dma_wait3A_75 = tpu.memref_slice %arg5[%add3A_60, %dma_wait3A] : memref<1000000x3xf32, #tpu.memory_space<hbm>> -> memref<1008x3xf32, #tpu.memory_space<hbm>>
      %dma_wait3A_76 = arith.constant 0 : i32
      %dma_wait3A_77 = tpu.memref_slice %arg5[%add3A_60, %dma_wait3A_76] : memref<1000000x3xf32, #tpu.memory_space<hbm>> -> memref<1008x3xf32, #tpu.memory_space<hbm>>
      tpu.wait_dma2 semaphore(%run_scoped3A : memref<!tpu.dma_semaphore, #tpu.memory_space<semaphore_mem>>) src(%arg6 : memref<1008x3xf32, #tpu.memory_space<vmem>>) dst(%dma_wait3A_77 : memref<1008x3xf32, #tpu.memory_space<hbm>>)
      tpu.yield
    }) : () -> ()
    %add3A_61 = arith.constant 29232 : i32
    %add3A_62 = arith.addi %mul3A_2, %add3A_61 : i32
    "tpu.region"() ({
      %run_scoped3A = tpu.sem_alloc : memref<!tpu.dma_semaphore, #tpu.memory_space<semaphore_mem>>
      %dma_start3A = arith.constant 0 : i32
      %dma_start3A_72 = tpu.memref_slice %arg2[%add3A_62, %dma_start3A] : memref<1000000x3xf32, #tpu.memory_space<hbm>> -> memref<1008x3xf32, #tpu.memory_space<hbm>>
      %dma_start3A_73 = arith.constant 0 : i32
      %dma_start3A_74 = tpu.memref_slice %arg2[%add3A_62, %dma_start3A_73] : memref<1000000x3xf32, #tpu.memory_space<hbm>> -> memref<1008x3xf32, #tpu.memory_space<hbm>>
      tpu.enqueue_dma source(%dma_start3A_74 : memref<1008x3xf32, #tpu.memory_space<hbm>>) target(%arg6 : memref<1008x3xf32, #tpu.memory_space<vmem>>) target_semaphore(%run_scoped3A : memref<!tpu.dma_semaphore, #tpu.memory_space<semaphore_mem>>)
      %dma_wait3A = arith.constant 0 : i32
      %dma_wait3A_75 = tpu.memref_slice %arg2[%add3A_62, %dma_wait3A] : memref<1000000x3xf32, #tpu.memory_space<hbm>> -> memref<1008x3xf32, #tpu.memory_space<hbm>>
      %dma_wait3A_76 = arith.constant 0 : i32
      %dma_wait3A_77 = tpu.memref_slice %arg2[%add3A_62, %dma_wait3A_76] : memref<1000000x3xf32, #tpu.memory_space<hbm>> -> memref<1008x3xf32, #tpu.memory_space<hbm>>
      tpu.wait_dma2 semaphore(%run_scoped3A : memref<!tpu.dma_semaphore, #tpu.memory_space<semaphore_mem>>) src(%dma_wait3A_77 : memref<1008x3xf32, #tpu.memory_space<hbm>>) dst(%arg6 : memref<1008x3xf32, #tpu.memory_space<vmem>>)
      tpu.yield
    }) : () -> ()
    "tpu.region"() ({
      %run_scoped3A = tpu.sem_alloc : memref<!tpu.dma_semaphore, #tpu.memory_space<semaphore_mem>>
      %dma_start3A = arith.constant 0 : i32
      %dma_start3A_72 = tpu.memref_slice %arg5[%add3A_62, %dma_start3A] : memref<1000000x3xf32, #tpu.memory_space<hbm>> -> memref<1008x3xf32, #tpu.memory_space<hbm>>
      %dma_start3A_73 = arith.constant 0 : i32
      %dma_start3A_74 = tpu.memref_slice %arg5[%add3A_62, %dma_start3A_73] : memref<1000000x3xf32, #tpu.memory_space<hbm>> -> memref<1008x3xf32, #tpu.memory_space<hbm>>
      tpu.enqueue_dma source(%arg6 : memref<1008x3xf32, #tpu.memory_space<vmem>>) target(%dma_start3A_74 : memref<1008x3xf32, #tpu.memory_space<hbm>>) target_semaphore(%run_scoped3A : memref<!tpu.dma_semaphore, #tpu.memory_space<semaphore_mem>>)
      %dma_wait3A = arith.constant 0 : i32
      %dma_wait3A_75 = tpu.memref_slice %arg5[%add3A_62, %dma_wait3A] : memref<1000000x3xf32, #tpu.memory_space<hbm>> -> memref<1008x3xf32, #tpu.memory_space<hbm>>
      %dma_wait3A_76 = arith.constant 0 : i32
      %dma_wait3A_77 = tpu.memref_slice %arg5[%add3A_62, %dma_wait3A_76] : memref<1000000x3xf32, #tpu.memory_space<hbm>> -> memref<1008x3xf32, #tpu.memory_space<hbm>>
      tpu.wait_dma2 semaphore(%run_scoped3A : memref<!tpu.dma_semaphore, #tpu.memory_space<semaphore_mem>>) src(%arg6 : memref<1008x3xf32, #tpu.memory_space<vmem>>) dst(%dma_wait3A_77 : memref<1008x3xf32, #tpu.memory_space<hbm>>)
      tpu.yield
    }) : () -> ()
    %add3A_63 = arith.constant 30240 : i32
    %add3A_64 = arith.addi %mul3A_2, %add3A_63 : i32
    "tpu.region"() ({
      %run_scoped3A = tpu.sem_alloc : memref<!tpu.dma_semaphore, #tpu.memory_space<semaphore_mem>>
      %dma_start3A = arith.constant 0 : i32
      %dma_start3A_72 = tpu.memref_slice %arg2[%add3A_64, %dma_start3A] : memref<1000000x3xf32, #tpu.memory_space<hbm>> -> memref<1008x3xf32, #tpu.memory_space<hbm>>
      %dma_start3A_73 = arith.constant 0 : i32
      %dma_start3A_74 = tpu.memref_slice %arg2[%add3A_64, %dma_start3A_73] : memref<1000000x3xf32, #tpu.memory_space<hbm>> -> memref<1008x3xf32, #tpu.memory_space<hbm>>
      tpu.enqueue_dma source(%dma_start3A_74 : memref<1008x3xf32, #tpu.memory_space<hbm>>) target(%arg6 : memref<1008x3xf32, #tpu.memory_space<vmem>>) target_semaphore(%run_scoped3A : memref<!tpu.dma_semaphore, #tpu.memory_space<semaphore_mem>>)
      %dma_wait3A = arith.constant 0 : i32
      %dma_wait3A_75 = tpu.memref_slice %arg2[%add3A_64, %dma_wait3A] : memref<1000000x3xf32, #tpu.memory_space<hbm>> -> memref<1008x3xf32, #tpu.memory_space<hbm>>
      %dma_wait3A_76 = arith.constant 0 : i32
      %dma_wait3A_77 = tpu.memref_slice %arg2[%add3A_64, %dma_wait3A_76] : memref<1000000x3xf32, #tpu.memory_space<hbm>> -> memref<1008x3xf32, #tpu.memory_space<hbm>>
      tpu.wait_dma2 semaphore(%run_scoped3A : memref<!tpu.dma_semaphore, #tpu.memory_space<semaphore_mem>>) src(%dma_wait3A_77 : memref<1008x3xf32, #tpu.memory_space<hbm>>) dst(%arg6 : memref<1008x3xf32, #tpu.memory_space<vmem>>)
      tpu.yield
    }) : () -> ()
    "tpu.region"() ({
      %run_scoped3A = tpu.sem_alloc : memref<!tpu.dma_semaphore, #tpu.memory_space<semaphore_mem>>
      %dma_start3A = arith.constant 0 : i32
      %dma_start3A_72 = tpu.memref_slice %arg5[%add3A_64, %dma_start3A] : memref<1000000x3xf32, #tpu.memory_space<hbm>> -> memref<1008x3xf32, #tpu.memory_space<hbm>>
      %dma_start3A_73 = arith.constant 0 : i32
      %dma_start3A_74 = tpu.memref_slice %arg5[%add3A_64, %dma_start3A_73] : memref<1000000x3xf32, #tpu.memory_space<hbm>> -> memref<1008x3xf32, #tpu.memory_space<hbm>>
      tpu.enqueue_dma source(%arg6 : memref<1008x3xf32, #tpu.memory_space<vmem>>) target(%dma_start3A_74 : memref<1008x3xf32, #tpu.memory_space<hbm>>) target_semaphore(%run_scoped3A : memref<!tpu.dma_semaphore, #tpu.memory_space<semaphore_mem>>)
      %dma_wait3A = arith.constant 0 : i32
      %dma_wait3A_75 = tpu.memref_slice %arg5[%add3A_64, %dma_wait3A] : memref<1000000x3xf32, #tpu.memory_space<hbm>> -> memref<1008x3xf32, #tpu.memory_space<hbm>>
      %dma_wait3A_76 = arith.constant 0 : i32
      %dma_wait3A_77 = tpu.memref_slice %arg5[%add3A_64, %dma_wait3A_76] : memref<1000000x3xf32, #tpu.memory_space<hbm>> -> memref<1008x3xf32, #tpu.memory_space<hbm>>
      tpu.wait_dma2 semaphore(%run_scoped3A : memref<!tpu.dma_semaphore, #tpu.memory_space<semaphore_mem>>) src(%arg6 : memref<1008x3xf32, #tpu.memory_space<vmem>>) dst(%dma_wait3A_77 : memref<1008x3xf32, #tpu.memory_space<hbm>>)
      tpu.yield
    }) : () -> ()
    %eq3A = arith.constant 31 : i32
    %eq3A_65 = arith.cmpi eq, %add3A, %eq3A : i32
    %convert_element_type3A = arith.extui %eq3A_65 : i1 to i32
    %cond3A = arith.constant 0 : i32
    %cond3A_66 = arith.cmpi ne, %convert_element_type3A, %cond3A : i32
    scf.if %cond3A_66 {
      "tpu.region"() ({
        %run_scoped3A = tpu.sem_alloc : memref<!tpu.dma_semaphore, #tpu.memory_space<semaphore_mem>>
        %dma_start3A = arith.constant 0 : i32
        %dma_start3A_72 = arith.constant 0 : i32
        %dma_start3A_73 = tpu.memref_slice %arg6[%dma_start3A, %dma_start3A_72] : memref<1008x3xf32, #tpu.memory_space<vmem>> -> memref<64x3xf32, #tpu.memory_space<vmem>>
        %dma_start3A_74 = arith.constant 999936 : i32
        %dma_start3A_75 = arith.constant 0 : i32
        %dma_start3A_76 = tpu.memref_slice %arg2[%dma_start3A_74, %dma_start3A_75] : memref<1000000x3xf32, #tpu.memory_space<hbm>> -> memref<64x3xf32, #tpu.memory_space<hbm>>
        %dma_start3A_77 = arith.constant 0 : i32
        %dma_start3A_78 = arith.constant 0 : i32
        %dma_start3A_79 = tpu.memref_slice %arg6[%dma_start3A_77, %dma_start3A_78] : memref<1008x3xf32, #tpu.memory_space<vmem>> -> memref<64x3xf32, #tpu.memory_space<vmem>>
        %dma_start3A_80 = arith.constant 999936 : i32
        %dma_start3A_81 = arith.constant 0 : i32
        %dma_start3A_82 = tpu.memref_slice %arg2[%dma_start3A_80, %dma_start3A_81] : memref<1000000x3xf32, #tpu.memory_space<hbm>> -> memref<64x3xf32, #tpu.memory_space<hbm>>
        tpu.enqueue_dma source(%dma_start3A_82 : memref<64x3xf32, #tpu.memory_space<hbm>>) target(%dma_start3A_79 : memref<64x3xf32, #tpu.memory_space<vmem>>) target_semaphore(%run_scoped3A : memref<!tpu.dma_semaphore, #tpu.memory_space<semaphore_mem>>)
        %dma_wait3A = arith.constant 0 : i32
        %dma_wait3A_83 = arith.constant 0 : i32
        %dma_wait3A_84 = tpu.memref_slice %arg6[%dma_wait3A, %dma_wait3A_83] : memref<1008x3xf32, #tpu.memory_space<vmem>> -> memref<64x3xf32, #tpu.memory_space<vmem>>
        %dma_wait3A_85 = arith.constant 999936 : i32
        %dma_wait3A_86 = arith.constant 0 : i32
        %dma_wait3A_87 = tpu.memref_slice %arg2[%dma_wait3A_85, %dma_wait3A_86] : memref<1000000x3xf32, #tpu.memory_space<hbm>> -> memref<64x3xf32, #tpu.memory_space<hbm>>
        %dma_wait3A_88 = arith.constant 0 : i32
        %dma_wait3A_89 = arith.constant 0 : i32
        %dma_wait3A_90 = tpu.memref_slice %arg6[%dma_wait3A_88, %dma_wait3A_89] : memref<1008x3xf32, #tpu.memory_space<vmem>> -> memref<64x3xf32, #tpu.memory_space<vmem>>
        %dma_wait3A_91 = arith.constant 999936 : i32
        %dma_wait3A_92 = arith.constant 0 : i32
        %dma_wait3A_93 = tpu.memref_slice %arg2[%dma_wait3A_91, %dma_wait3A_92] : memref<1000000x3xf32, #tpu.memory_space<hbm>> -> memref<64x3xf32, #tpu.memory_space<hbm>>
        tpu.wait_dma2 semaphore(%run_scoped3A : memref<!tpu.dma_semaphore, #tpu.memory_space<semaphore_mem>>) src(%dma_wait3A_93 : memref<64x3xf32, #tpu.memory_space<hbm>>) dst(%dma_wait3A_90 : memref<64x3xf32, #tpu.memory_space<vmem>>)
        tpu.yield
      }) : () -> ()
      "tpu.region"() ({
        %run_scoped3A = tpu.sem_alloc : memref<!tpu.dma_semaphore, #tpu.memory_space<semaphore_mem>>
        %dma_start3A = arith.constant 0 : i32
        %dma_start3A_72 = arith.constant 0 : i32
        %dma_start3A_73 = tpu.memref_slice %arg6[%dma_start3A, %dma_start3A_72] : memref<1008x3xf32, #tpu.memory_space<vmem>> -> memref<64x3xf32, #tpu.memory_space<vmem>>
        %dma_start3A_74 = arith.constant 999936 : i32
        %dma_start3A_75 = arith.constant 0 : i32
        %dma_start3A_76 = tpu.memref_slice %arg5[%dma_start3A_74, %dma_start3A_75] : memref<1000000x3xf32, #tpu.memory_space<hbm>> -> memref<64x3xf32, #tpu.memory_space<hbm>>
        %dma_start3A_77 = arith.constant 999936 : i32
        %dma_start3A_78 = arith.constant 0 : i32
        %dma_start3A_79 = tpu.memref_slice %arg5[%dma_start3A_77, %dma_start3A_78] : memref<1000000x3xf32, #tpu.memory_space<hbm>> -> memref<64x3xf32, #tpu.memory_space<hbm>>
        %dma_start3A_80 = arith.constant 0 : i32
        %dma_start3A_81 = arith.constant 0 : i32
        %dma_start3A_82 = tpu.memref_slice %arg6[%dma_start3A_80, %dma_start3A_81] : memref<1008x3xf32, #tpu.memory_space<vmem>> -> memref<64x3xf32, #tpu.memory_space<vmem>>
        tpu.enqueue_dma source(%dma_start3A_82 : memref<64x3xf32, #tpu.memory_space<vmem>>) target(%dma_start3A_79 : memref<64x3xf32, #tpu.memory_space<hbm>>) target_semaphore(%run_scoped3A : memref<!tpu.dma_semaphore, #tpu.memory_space<semaphore_mem>>)
        %dma_wait3A = arith.constant 0 : i32
        %dma_wait3A_83 = arith.constant 0 : i32
        %dma_wait3A_84 = tpu.memref_slice %arg6[%dma_wait3A, %dma_wait3A_83] : memref<1008x3xf32, #tpu.memory_space<vmem>> -> memref<64x3xf32, #tpu.memory_space<vmem>>
        %dma_wait3A_85 = arith.constant 999936 : i32
        %dma_wait3A_86 = arith.constant 0 : i32
        %dma_wait3A_87 = tpu.memref_slice %arg5[%dma_wait3A_85, %dma_wait3A_86] : memref<1000000x3xf32, #tpu.memory_space<hbm>> -> memref<64x3xf32, #tpu.memory_space<hbm>>
        %dma_wait3A_88 = arith.constant 999936 : i32
        %dma_wait3A_89 = arith.constant 0 : i32
        %dma_wait3A_90 = tpu.memref_slice %arg5[%dma_wait3A_88, %dma_wait3A_89] : memref<1000000x3xf32, #tpu.memory_space<hbm>> -> memref<64x3xf32, #tpu.memory_space<hbm>>
        %dma_wait3A_91 = arith.constant 0 : i32
        %dma_wait3A_92 = arith.constant 0 : i32
        %dma_wait3A_93 = tpu.memref_slice %arg6[%dma_wait3A_91, %dma_wait3A_92] : memref<1008x3xf32, #tpu.memory_space<vmem>> -> memref<64x3xf32, #tpu.memory_space<vmem>>
        tpu.wait_dma2 semaphore(%run_scoped3A : memref<!tpu.dma_semaphore, #tpu.memory_space<semaphore_mem>>) src(%dma_wait3A_93 : memref<64x3xf32, #tpu.memory_space<vmem>>) dst(%dma_wait3A_90 : memref<64x3xf32, #tpu.memory_space<hbm>>)
        tpu.yield
      }) : () -> ()
    } else {
    }
    %eq3A_67 = arith.constant 0 : i32
    %eq3A_68 = arith.cmpi eq, %add3A, %eq3A_67 : i32
    %convert_element_type3A_69 = arith.extui %eq3A_68 : i1 to i32
    %cond3A_70 = arith.constant 0 : i32
    %cond3A_71 = arith.cmpi ne, %convert_element_type3A_69, %cond3A_70 : i32
    scf.if %cond3A_71 {
      "tpu.region"() ({
        %run_scoped3A = tpu.sem_alloc : memref<!tpu.dma_semaphore, #tpu.memory_space<semaphore_mem>>
        %dma_start3A = arith.constant 0 : i32
        %dma_start3A_72 = arith.constant 0 : i32
        %dma_start3A_73 = tpu.memref_slice %arg2[%dma_start3A, %dma_start3A_72] : memref<1000000x3xf32, #tpu.memory_space<hbm>> -> memref<8x3xf32, #tpu.memory_space<hbm>>
        %dma_start3A_74 = arith.constant 0 : i32
        %dma_start3A_75 = arith.constant 0 : i32
        %dma_start3A_76 = tpu.memref_slice %arg2[%dma_start3A_74, %dma_start3A_75] : memref<1000000x3xf32, #tpu.memory_space<hbm>> -> memref<8x3xf32, #tpu.memory_space<hbm>>
        tpu.enqueue_dma source(%dma_start3A_76 : memref<8x3xf32, #tpu.memory_space<hbm>>) target(%arg7 : memref<8x3xf32, #tpu.memory_space<vmem>>) target_semaphore(%run_scoped3A : memref<!tpu.dma_semaphore, #tpu.memory_space<semaphore_mem>>)
        %dma_wait3A = arith.constant 0 : i32
        %dma_wait3A_77 = arith.constant 0 : i32
        %dma_wait3A_78 = tpu.memref_slice %arg2[%dma_wait3A, %dma_wait3A_77] : memref<1000000x3xf32, #tpu.memory_space<hbm>> -> memref<8x3xf32, #tpu.memory_space<hbm>>
        %dma_wait3A_79 = arith.constant 0 : i32
        %dma_wait3A_80 = arith.constant 0 : i32
        %dma_wait3A_81 = tpu.memref_slice %arg2[%dma_wait3A_79, %dma_wait3A_80] : memref<1000000x3xf32, #tpu.memory_space<hbm>> -> memref<8x3xf32, #tpu.memory_space<hbm>>
        tpu.wait_dma2 semaphore(%run_scoped3A : memref<!tpu.dma_semaphore, #tpu.memory_space<semaphore_mem>>) src(%dma_wait3A_81 : memref<8x3xf32, #tpu.memory_space<hbm>>) dst(%arg7 : memref<8x3xf32, #tpu.memory_space<vmem>>)
        tpu.yield
      }) : () -> ()
      "tpu.region"() ({
        %run_scoped3A = tpu.sem_alloc : memref<!tpu.dma_semaphore, #tpu.memory_space<semaphore_mem>>
        %dma_start3A = arith.constant 0 : i32
        %dma_start3A_72 = arith.constant 0 : i32
        %dma_start3A_73 = tpu.memref_slice %arg7[%dma_start3A, %dma_start3A_72] : memref<8x3xf32, #tpu.memory_space<vmem>> -> memref<1x3xf32, #tpu.memory_space<vmem>>
        %dma_start3A_74 = arith.constant 0 : i32
        %dma_start3A_75 = arith.constant 0 : i32
        %dma_start3A_76 = tpu.memref_slice %arg7[%dma_start3A_74, %dma_start3A_75] : memref<8x3xf32, #tpu.memory_space<vmem>> -> memref<1x3xf32, #tpu.memory_space<vmem>>
        tpu.enqueue_dma source(%arg3 : memref<1x3xf32, #tpu.memory_space<hbm>>) target(%dma_start3A_76 : memref<1x3xf32, #tpu.memory_space<vmem>>) target_semaphore(%run_scoped3A : memref<!tpu.dma_semaphore, #tpu.memory_space<semaphore_mem>>)
        %dma_wait3A = arith.constant 0 : i32
        %dma_wait3A_77 = arith.constant 0 : i32
        %dma_wait3A_78 = tpu.memref_slice %arg7[%dma_wait3A, %dma_wait3A_77] : memref<8x3xf32, #tpu.memory_space<vmem>> -> memref<1x3xf32, #tpu.memory_space<vmem>>
        %dma_wait3A_79 = arith.constant 0 : i32
        %dma_wait3A_80 = arith.constant 0 : i32
        %dma_wait3A_81 = tpu.memref_slice %arg7[%dma_wait3A_79, %dma_wait3A_80] : memref<8x3xf32, #tpu.memory_space<vmem>> -> memref<1x3xf32, #tpu.memory_space<vmem>>
        tpu.wait_dma2 semaphore(%run_scoped3A : memref<!tpu.dma_semaphore, #tpu.memory_space<semaphore_mem>>) src(%arg3 : memref<1x3xf32, #tpu.memory_space<hbm>>) dst(%dma_wait3A_81 : memref<1x3xf32, #tpu.memory_space<vmem>>)
        tpu.yield
      }) : () -> ()
      "tpu.region"() ({
        %run_scoped3A = tpu.sem_alloc : memref<!tpu.dma_semaphore, #tpu.memory_space<semaphore_mem>>
        %dma_start3A = arith.constant 2 : i32
        %dma_start3A_72 = arith.constant 0 : i32
        %dma_start3A_73 = tpu.memref_slice %arg7[%dma_start3A, %dma_start3A_72] : memref<8x3xf32, #tpu.memory_space<vmem>> -> memref<1x3xf32, #tpu.memory_space<vmem>>
        %dma_start3A_74 = arith.constant 2 : i32
        %dma_start3A_75 = arith.constant 0 : i32
        %dma_start3A_76 = tpu.memref_slice %arg7[%dma_start3A_74, %dma_start3A_75] : memref<8x3xf32, #tpu.memory_space<vmem>> -> memref<1x3xf32, #tpu.memory_space<vmem>>
        tpu.enqueue_dma source(%arg4 : memref<1x3xf32, #tpu.memory_space<hbm>>) target(%dma_start3A_76 : memref<1x3xf32, #tpu.memory_space<vmem>>) target_semaphore(%run_scoped3A : memref<!tpu.dma_semaphore, #tpu.memory_space<semaphore_mem>>)
        %dma_wait3A = arith.constant 2 : i32
        %dma_wait3A_77 = arith.constant 0 : i32
        %dma_wait3A_78 = tpu.memref_slice %arg7[%dma_wait3A, %dma_wait3A_77] : memref<8x3xf32, #tpu.memory_space<vmem>> -> memref<1x3xf32, #tpu.memory_space<vmem>>
        %dma_wait3A_79 = arith.constant 2 : i32
        %dma_wait3A_80 = arith.constant 0 : i32
        %dma_wait3A_81 = tpu.memref_slice %arg7[%dma_wait3A_79, %dma_wait3A_80] : memref<8x3xf32, #tpu.memory_space<vmem>> -> memref<1x3xf32, #tpu.memory_space<vmem>>
        tpu.wait_dma2 semaphore(%run_scoped3A : memref<!tpu.dma_semaphore, #tpu.memory_space<semaphore_mem>>) src(%arg4 : memref<1x3xf32, #tpu.memory_space<hbm>>) dst(%dma_wait3A_81 : memref<1x3xf32, #tpu.memory_space<vmem>>)
        tpu.yield
      }) : () -> ()
      "tpu.region"() ({
        %run_scoped3A = tpu.sem_alloc : memref<!tpu.dma_semaphore, #tpu.memory_space<semaphore_mem>>
        %dma_start3A = arith.constant 0 : i32
        %dma_start3A_72 = arith.constant 0 : i32
        %dma_start3A_73 = tpu.memref_slice %arg5[%dma_start3A, %dma_start3A_72] : memref<1000000x3xf32, #tpu.memory_space<hbm>> -> memref<8x3xf32, #tpu.memory_space<hbm>>
        %dma_start3A_74 = arith.constant 0 : i32
        %dma_start3A_75 = arith.constant 0 : i32
        %dma_start3A_76 = tpu.memref_slice %arg5[%dma_start3A_74, %dma_start3A_75] : memref<1000000x3xf32, #tpu.memory_space<hbm>> -> memref<8x3xf32, #tpu.memory_space<hbm>>
        tpu.enqueue_dma source(%arg7 : memref<8x3xf32, #tpu.memory_space<vmem>>) target(%dma_start3A_76 : memref<8x3xf32, #tpu.memory_space<hbm>>) target_semaphore(%run_scoped3A : memref<!tpu.dma_semaphore, #tpu.memory_space<semaphore_mem>>)
        %dma_wait3A = arith.constant 0 : i32
        %dma_wait3A_77 = arith.constant 0 : i32
        %dma_wait3A_78 = tpu.memref_slice %arg5[%dma_wait3A, %dma_wait3A_77] : memref<1000000x3xf32, #tpu.memory_space<hbm>> -> memref<8x3xf32, #tpu.memory_space<hbm>>
        %dma_wait3A_79 = arith.constant 0 : i32
        %dma_wait3A_80 = arith.constant 0 : i32
        %dma_wait3A_81 = tpu.memref_slice %arg5[%dma_wait3A_79, %dma_wait3A_80] : memref<1000000x3xf32, #tpu.memory_space<hbm>> -> memref<8x3xf32, #tpu.memory_space<hbm>>
        tpu.wait_dma2 semaphore(%run_scoped3A : memref<!tpu.dma_semaphore, #tpu.memory_space<semaphore_mem>>) src(%arg7 : memref<8x3xf32, #tpu.memory_space<vmem>>) dst(%dma_wait3A_81 : memref<8x3xf32, #tpu.memory_space<hbm>>)
        tpu.yield
      }) : () -> ()
    } else {
    }
    return
  }
}

</mosaic_0001>

<sc_bundles>
// kernel: kernel.3.cloned.1.call-start
scs
__scs_entry_jumppad:
0x0: {  	(pc) =	sbr.rel $0x88, $3  }
0x1: {  	(tag) =	ssettag $0x0;
	lr =	simm.s32 $0x1  }
0x2: {  	[smem:$0x3FA0] =	sst lr;
	_ =	strace $0xD0000000  }
0x3: {  	_ = 	snop  }
0x4: {  	_ = 	snop  }
0x5: {  	_ = 	snop  }
0x6: {  	_ = 	snop  }
0x7: {  	_ = 	snop  }
__scs_overlays_trampoline_lowered:
0x8: {  	[smem:$0x3FAF] =	sst s0  }
0x9: {  	[smem:$0x3FB0] =	sst s1  }
0xa: {  	[smem:$0x3FB1] =	sst s2  }
0xb: {  	[smem:$0x3FB2] =	sst s3  }
0xc: {  	[smem:$0x3FB3] =	sst s4  }
0xd: {  	[smem:$0x3FB4] =	sst s5  }
0xe: {  	[smem:$0x3FB5] =	sst s6  }
0xf: {  	[smem:$0x3FB6] =	sst s7  }
0x10: {  	[smem:$0x3FB7] =	sst s8  }
0x11: {  	[smem:$0x3FB8] =	sst s9;
	s0 =	simm.s32 @!p0 $0x0  }
0x12: {  	s1 =	sld [smem:$0x3F9E];
	s0 =	simm.s32 @p0 $0x1  }
0x13: {  	[smem:$0x3FB9] =	sst s0;
	s0 =	simm.s32 @!p1 $0x0  }
0x14: {  	s2 =	sld [smem:$0x3F9D];
	s0 =	simm.s32 @p1 $0x1  }
0x15: {  	[smem:$0x3FBA] =	sst s0;
	s0 =	simm.s32 @!p2 $0x0  }
0x16: {  	s3 =	sld [smem:$0x3FDB];
	s0 =	simm.s32 @p2 $0x1  }
0x17: {  	s4 =	simm.s32 $0x1BF5;
	[smem:$0x3FBC] =	sst s0  }
0x18: {  	s0 =	sld [smem:$0x3F9F];
	_ =	swait.ge [sflag:s4], $0x0  }
0x19: {  	s7 =	sld [smem:$0x3FA0]  }
0x1a: {  	s8 =	sadd.s32 $0xFFFFE003, lr  }
0x1b: {  	s9 =	sadd.s32 $0xFFFFFEF7, lr;
	s5 =	simm.s32 $0xFFFFFFFF;
	p2 =	slt.u32 s8, $0xFFFFF086  }
0x1c: {  	p1 =	slt.u32 s9, $0xF7A;
	s5 =	simm.s32 @!p2 $0x0  }
0x1d: {  	s5 =	simm.s32 @p1 $0x1;
	p0 =	seq.s32 s7, s2  }
0x1e: {  	s7 =	smul.u32 @!p0 $0xF7A, s2;
	p2 =	seq.s32 @!p0 s5, $0x0  }
0x1f: {  	s9 =	smul.u32 $0xF7A, s1;
	s8 =	simm.s32 @!p0 $0x1BF5;
	p2 =	por !p2, p0  }
0x20: {  	[sflag:s8] =	ssyncset.s32 @!p0 $0xFFFFF086;
	s6 =	sadd.s32 @!p0 s3, s7;
	s7 =	simm.s32 @!p0 $0x108  }
0x21: {  	s3 =	sadd.s32 s3, s9;
	s6 =	sadd.s32 @!p0 $0x88, s6;
	s7 =	simm.s32 @p2 $0x1082  }
0x22: {  	[simem:s7], [sflag:s8] =	dma.local @!p0 [hbm:s6], $0xF7A  }
0x23: {  	s9 =	sor.u32 $0xD0000000, s2;
	s6 =	simm.s32 $0x108;
	_ =	swait.ge @!p0 [sflag:s8], $0x0  }
0x24: {  	s3 =	sadd.s32 $0x88, s3;
	s6 =	simm.s32 @!p1 $0x1082;
	[sflag:s4] =	ssyncset.s32 $0xFFFFF086  }
0x25: {  	[simem:s6], [sflag:s4] =	dma.local [hbm:s3], $0xF7A  }
0x26: {  	[smem:$0x3FA0] =	sst s1;
	(tag) =	ssettag s2;
	_ =	strace s9  }
0x27: {  	s1 =	sld [smem:$0x3FB0]  }
0x28: {  	s2 =	sld [smem:$0x3FB1]  }
0x29: {  	s4 =	sld [smem:$0x3FB3]  }
0x2a: {  	p0 =	seq.s32 s5, $0x0;
	s5 =	sld [smem:$0x3FB4]  }
0x2b: {  	s6 =	sld [smem:$0x3FB5]  }
0x2c: {  	s7 =	sld [smem:$0x3FB6]  }
0x2d: {  	s3 =	simm.s32 $0x108;
	s8 =	sld [smem:$0x3FB7]  }
0x2e: {  	s3 =	simm.s32 @!p0 $0x1082;
	s9 =	sld [smem:$0x3FB8]  }
0x2f: {  	lr =	sadd.s32 s0, s3;
	s0 =	sld [smem:$0x3FAF]  }
0x30: {  	s3 =	sld [smem:$0x3FB2]  }
0x31: {  	[smem:$0x3FBB] =	sst s10  }
0x32: {  	s10 =	sld [smem:$0x3FB9];
	_ =	sdelay $0x3  }
0x33: {  	p0 =	seq.s32 s10, $0x1;
	s10 =	sld [smem:$0x3FBB];
	_ =	sdelay $0x3  }
0x34: {  	[smem:$0x3FBB] =	sst s10  }
0x35: {  	s10 =	sld [smem:$0x3FBA];
	_ =	sdelay $0x3  }
0x36: {  	p1 =	seq.s32 s10, $0x1;
	s10 =	sld [smem:$0x3FBB];
	_ =	sdelay $0x3  }
0x37: {  	[smem:$0x3FBB] =	sst s10  }
0x38: {  	s10 =	sld [smem:$0x3FBC]  }
0x39: {  	_ = 	snop;
	(pc) =	sbr.ind lr, $3  }
0x3a: {  	_ = 	snop  }
0x3b: {  	_ = 	snop  }
0x3c: {  	p2 =	seq.s32 s10, $0x1;
	s10 =	sld [smem:$0x3FBB]  }
0x3d: {  	_ =	shalt  }
0x3e: {  	_ =	shalt  }
0x3f: {  	_ =	shalt  }
0x40: {  	_ =	shalt  }
0x41: {  	_ =	shalt  }
0x42: {  	_ =	shalt  }
0x43: {  	_ =	shalt  }
0x44: {  	_ =	shalt  }
0x45: {  	_ =	shalt  }
0x46: {  	_ =	shalt  }
0x47: {  	_ =	shalt  }
0x48: {  	_ =	shalt  }
0x49: {  	_ =	shalt  }
0x4a: {  	_ =	shalt  }
0x4b: {  	_ =	shalt  }
0x4c: {  	_ =	shalt  }
0x4d: {  	_ =	shalt  }
0x4e: {  	_ =	shalt  }
0x4f: {  	_ =	shalt  }
0x50: {  	_ =	shalt  }
0x51: {  	_ =	shalt  }
0x52: {  	_ =	shalt  }
0x53: {  	_ =	shalt  }
0x54: {  	_ =	shalt  }
0x55: {  	_ =	shalt  }
0x56: {  	_ =	shalt  }
0x57: {  	_ =	shalt  }
0x58: {  	_ =	shalt  }
0x59: {  	_ =	shalt  }
0x5a: {  	_ =	shalt  }
0x5b: {  	_ =	shalt  }
0x5c: {  	_ =	shalt  }
0x5d: {  	_ =	shalt  }
0x5e: {  	_ =	shalt  }
0x5f: {  	_ =	shalt  }
0x60: {  	_ =	shalt  }
0x61: {  	_ =	shalt  }
0x62: {  	_ =	shalt  }
0x63: {  	_ =	shalt  }
0x64: {  	_ =	shalt  }
0x65: {  	_ =	shalt  }
0x66: {  	_ =	shalt  }
0x67: {  	_ =	shalt  }
0x68: {  	_ =	shalt  }
0x69: {  	_ =	shalt  }
0x6a: {  	_ =	shalt  }
0x6b: {  	_ =	shalt  }
0x6c: {  	_ =	shalt  }
0x6d: {  	_ =	shalt  }
0x6e: {  	_ =	shalt  }
0x6f: {  	_ =	shalt  }
0x70: {  	_ =	shalt  }
0x71: {  	_ =	shalt  }
0x72: {  	_ =	shalt  }
0x73: {  	_ =	shalt  }
0x74: {  	_ =	shalt  }
0x75: {  	_ =	shalt  }
0x76: {  	_ =	shalt  }
0x77: {  	_ =	shalt  }
0x78: {  	_ =	shalt  }
0x79: {  	_ =	shalt  }
0x7a: {  	_ =	shalt  }
0x7b: {  	_ =	shalt  }
0x7c: {  	_ =	shalt  }
0x7d: {  	_ =	shalt  }
0x7e: {  	_ =	shalt  }
0x7f: {  	_ =	shalt  }
0x80: {  	_ =	shalt  }
0x81: {  	_ =	shalt  }
0x82: {  	_ =	shalt  }
0x83: {  	_ =	shalt  }
0x84: {  	_ =	shalt  }
0x85: {  	_ =	shalt  }
0x86: {  	_ =	shalt  }
0x87: {  	_ =	shalt  }
.Lfunc_end0:
.L_simem_size_0:
called_computation_lowered:
.L_overlay_start_0:
0x88: {  	s2 =	sld [smem:$0x3FD9]  }
0x89: {  	s3 =	sld [smem:$0x3FFE];
	_ =	sdelay $0x1  }
0x8a: {  	s1 =	srdreg.scid  }
0x8b: {  	s0 =	sand.u32 $0x1, s1  }
0x8c: {  	s17 =	sshll.u32 s0, $0xA;
	s2 =	sadd.s32 s3, s2  }
0x8d: {  	s2 =	sadd.s32 s2, s17  }
0x8e: {  	[smem:$0x3FC7] =	sst s2  }
0x8f: {  	_ = 	snop  }
0x90: {  	s2 =	sld [smem:$0x3FD0];
	(tm) =	ssettm $0x1  }
0x91: {  	s18 =	sld [smem:$0x3FFB];
	_ =	sdelay $0x3  }
0x92: {  	_ =	strace s18  }
0x93: {  	s3 =	sld [smem:$0x3FFC];
	_ =	sdelay $0x3  }
0x94: {  	_ =	strace s3  }
0x95: {  	s3 =	sld [smem:$0x3FFD];
	_ =	sdelay $0x3  }
0x96: {  	_ =	strace s3  }
0x97: {  	_ =	strace $0x8FFFFFFF  }
0x98: {  	s19 =	sld [smem:$0x3FDB];
	_ =	sdelay $0x1  }
0x99: {  	s4 =	simm.s32 $_scs_section_size  }
0x9a: {  	s5 =	simm.s32 $_size__tile_overlayer_lowered;
	s6 =	simm.s32 $_tile_overlayer_lowered  }
0x9b: {  	s22 =	simm.s32 $0x1BFF;
	s21 =	sshll.u32 s6, $0x1;
	s3 =	sadd.s32 s4, s19  }
0x9c: {  	s7 =	simm.s32 $0x0;
	s20 =	sshll.u32 s5, $0x1;
	s5 =	sadd.s32 s21, s3  }
0x9d: {  	[timem:s7], [sflag:s22] =	dma.local [hbm:s5], s20  }
0x9e: {  	_ =	swait.ge [sflag:s22], s20  }
0x9f: {  	s4 =	ssub.s32 $0x0, s20;
	[sflag:s22] =	ssyncset.done $0x0  }
0xa0: {  	[sflag:s22] =	ssyncadd.s32 s4;
	_ =	sdelay $0x1  }
0xa1: {  	s23 =	simm.s32 $0x1B8B  }
0xa2: {  	_ =	swait.ge [sflag:s23], $0x1  }
0xa3: {  	[sflag:s23] =	ssyncset.done $0x0  }
0xa4: {  	s25 =	simm.s32 $0x1B8E;
	s24 =	sld [smem:$0x3FFE];
	[sflag:s23] =	ssyncadd.s32 $0xFFFFFFFF  }
0xa5: {  	s26 =	simm.s32 $execute0_lowered;
	[smem:$0x3FD2] =	sst s25  }
0xa6: {  	s5 =	sshll.u32 s26, $0x1;
	_ =	strace $0x80000046;
	[dreg:$0x1] =	wrdreg $0xFFFFFFFF  }
0xa7: {  	s28 =	simm.s32 $_size_execute0_lowered;
	s3 =	sadd.s32 s3, s5;
	[dreg:$0x0] =	wrdreg $0x0  }
0xa8: {  	s5 =	sshll.u32 s28, $0x1;
	[dreg:$0x2] =	wrdreg s3  }
0xa9: {  	[dreg:$0x3] =	wrdreg s5  }
0xaa: {  	[dreg:$0x4] =	wrdreg $0xC0  }
0xab: {  	_ =	task [dreg:s7], $0x5FFFF  }
0xac: {  	[dreg:$0x1] =	wrdreg $0xFFFFFFFF  }
0xad: {  	[dreg:$0x0] =	wrdreg $0x60  }
0xae: {  	[dreg:$0x2] =	wrdreg s24  }
0xaf: {  	[dreg:$0x3] =	wrdreg s2  }
0xb0: {  	[dreg:$0x4] =	wrdreg $0x9  }
0xb1: {  	_ =	task.clear_ibuf [dreg:s7], $0x5FFFF;
	_ =	strace $0x90000046  }
0xb2: {  	s29 =	simm.s32 $0x9;
	_ =	strace $0x80000048  }
0xb3: {  	_ =	swait.ge [sflag:s29], $0x1  }
0xb4: {  	[sflag:s29] =	ssyncadd.s32 $0xFFFFFFFF  }
0xb5: {  	_ =	strace $0x90000048  }
0xb6: {  	_ =	sfence  }
0xb7: {  	s30 =	sld [smem:$0x0];
	_ =	sdelay $0x2  }
0xb8: {  	s31 =	sshll.u32 s1, $0xD;
	s1 =	sshrl.u32 s1, $0x2  }
0xb9: {  	s3 =	sand.u32 $0x4000, s31;
	s1 =	sadd.s32 s1, s30  }
0xba: {  	s0 =	sor.u32 s3, s0;
	s1 =	sshll.u32 s1, $0x11  }
0xbb: {  	s0 =	sor.u32 s1, s0  }
0xbc: {  	s0 =	sadd.s32 $0x8F2B, s0  }
0xbd: {  	[sflag:s0] =	ssyncadd.remote.s32 $0x1  }
0xbe: {  	_ =	sfence.sel $0xFFFF  }
0xbf: {  	[dreg:$0x0] =	wrdreg $0xFFFFFFFF;
	(pc) =	sbr.abs _section_cstart, $3  }
0xc0: {  	[dreg:$0x1] =	wrdreg $0xFFFFFFFF  }
0xc1: {  	_ =	task.clear_ibuf [dreg:s7], $0x2FFFF;
	_ =	strace $0x9FFFFFFF  }
0xc2: {  	(tm) =	ssettm $0x7FFFFFFF  }
0xc3: {  	_ =	shalt  }
tec
execute0_lowered:
.L_overlay_start_1:
0x0: {  	(tag) =	ssettag $0x1  }
0x1: {  	s0 =	rddreg [dreg:$0x0]  }
0x2: {  	s1 =	rddreg [dreg:$0x1]  }
0x3: {  	s25 =	srdreg.scid;
	s28 =	stileid.u32  }
0x4: {  	s26 =	rddreg [dreg:$0x2];
	s6 =	sand.u32 $0x1, s25;
	s29 =	sshll.u32 s28, $0x1  }
0x5: {  	s3 =	simm.s32 $0x0;
	[dreg:$0x3] =	wrdreg s1;
	s1 =	sor.u32 s6, s29  }
0x6: {  	[smem:$0x7FF] =	sst s3;
	s5 =	sadd.s32 $0xF42C00, s0;
	s2 =	smul.u32 $0x7A100, s1  }
0x7: {  	s30 =	sadd.s32 $0x800, s0;
	s4 =	sadd.s32 $0xF42E00, s0;
	s7 =	smul.u32 $0x3D0800, s1  }
0x8: {  	_ =	strace $0x80000047;
	[dreg:$0x4] =	wrdreg s5;
	s8 =	sadd.s32 s30, s2  }
0x9: {  	s5 =	sshrl.u32 s7, $0x3;
	s2 =	sadd.s32 s4, s2;
	[dreg:$0x5] =	wrdreg s8  }
0xa: {  	s7 =	sadd.s32 $0x3F00, s5;
	[dreg:$0x6] =	wrdreg s2  }
0xb: {  	s31 =	sadd.s32 s30, s7;
	s2 =	rddreg [dreg:$0x5]  }
0xc: {  	s8 =	sadd.s32 $0x7E00, s5;
	s7 =	sadd.s32 s4, s7;
	[dreg:$0x7] =	wrdreg s31  }
0xd: {  	s9 =	sadd.s32 s30, s8;
	[dreg:$0x8] =	wrdreg s7  }
0xe: {  	s11 =	sadd.s32 $0xBD00, s5;
	s10 =	sadd.s32 s4, s8;
	[dreg:$0x9] =	wrdreg s9  }
0xf: {  	s12 =	sadd.s32 s30, s11;
	[dreg:$0xa] =	wrdreg s10  }
0x10: {  	s14 =	sadd.s32 $0xFC00, s5;
	s13 =	sadd.s32 s4, s11;
	[dreg:$0xb] =	wrdreg s12  }
0x11: {  	s15 =	sadd.s32 s30, s14;
	[dreg:$0xc] =	wrdreg s13  }
0x12: {  	s17 =	sadd.s32 $0x13B00, s5;
	s16 =	sadd.s32 s4, s14;
	[dreg:$0xd] =	wrdreg s15  }
0x13: {  	s18 =	sadd.s32 s30, s17;
	[dreg:$0xe] =	wrdreg s16  }
0x14: {  	s20 =	sadd.s32 $0x17A00, s5;
	s19 =	sadd.s32 s4, s17;
	[dreg:$0xf] =	wrdreg s18  }
0x15: {  	s21 =	sadd.s32 s30, s20;
	[dreg:$0x10] =	wrdreg s19  }
0x16: {  	s23 =	sadd.s32 $0x1B900, s5;
	s22 =	sadd.s32 s4, s20;
	[dreg:$0x11] =	wrdreg s21  }
0x17: {  	s24 =	sadd.s32 s30, s23;
	[dreg:$0x12] =	wrdreg s22  }
0x18: {  	s29 =	sadd.s32 $0x1F800, s5;
	s25 =	sadd.s32 s4, s23;
	[dreg:$0x13] =	wrdreg s24  }
0x19: {  	[dreg:$0x14] =	wrdreg s25;
	s31 =	sadd.s32 s30, s29  }
0x1a: {  	s8 =	sadd.s32 $0x23700, s5;
	s7 =	sadd.s32 s4, s29;
	[dreg:$0x15] =	wrdreg s31  }
0x1b: {  	s9 =	sadd.s32 s30, s8;
	[dreg:$0x16] =	wrdreg s7  }
0x1c: {  	s11 =	sadd.s32 $0x27600, s5;
	s10 =	sadd.s32 s4, s8;
	[dreg:$0x17] =	wrdreg s9  }
0x1d: {  	s12 =	sadd.s32 s30, s11;
	[dreg:$0x18] =	wrdreg s10  }
0x1e: {  	s14 =	sadd.s32 $0x2B500, s5;
	s13 =	sadd.s32 s4, s11;
	[dreg:$0x19] =	wrdreg s12  }
0x1f: {  	s15 =	sadd.s32 s30, s14;
	[dreg:$0x1a] =	wrdreg s13  }
0x20: {  	s17 =	sadd.s32 $0x2F400, s5;
	s16 =	sadd.s32 s4, s14;
	[dreg:$0x1b] =	wrdreg s15  }
0x21: {  	s18 =	sadd.s32 s30, s17;
	[dreg:$0x1c] =	wrdreg s16  }
0x22: {  	s20 =	sadd.s32 $0x33300, s5;
	s19 =	sadd.s32 s4, s17;
	[dreg:$0x1d] =	wrdreg s18  }
0x23: {  	s21 =	sadd.s32 s30, s20;
	[dreg:$0x1e] =	wrdreg s19  }
0x24: {  	s23 =	sadd.s32 $0x37200, s5;
	s22 =	sadd.s32 s4, s20;
	[dreg:$0x1f] =	wrdreg s21  }
0x25: {  	p2 =	por $0x0, $0x0;
	s24 =	sadd.s32 s30, s23;
	[smem:$0x7ED] =	sst s22  }
0x26: {  	s25 =	sadd.s32 s4, s23;
	s29 =	sadd.s32 $0x3B100, s5;
	[smem:$0x7EE] =	sst s24  }
0x27: {  	s6 =	ssub.s32 $0x2, s6;
	[smem:$0x7EF] =	sst s25;
	s31 =	sadd.s32 s30, s29  }
0x28: {  	s8 =	sadd.s32 $0x3F000, s5;
	s7 =	sadd.s32 s4, s29;
	[smem:$0x7F0] =	sst s31  }
0x29: {  	p1 =	seq.s32 s1, $0x0;
	s9 =	sadd.s32 s30, s8;
	[smem:$0x7F1] =	sst s7  }
0x2a: {  	s11 =	sadd.s32 $0x42F00, s5;
	s10 =	sadd.s32 s4, s8;
	[smem:$0x7F2] =	sst s9  }
0x2b: {  	p0 =	sne.s32 @!p1 s1, $0x1F;
	s12 =	sadd.s32 s30, s11;
	[smem:$0x7F3] =	sst s10  }
0x2c: {  	s14 =	sadd.s32 $0x46E00, s5;
	s13 =	sadd.s32 s4, s11;
	[smem:$0x7F4] =	sst s12  }
0x2d: {  	p0 =	por p0, p1;
	s15 =	sadd.s32 s30, s14;
	[smem:$0x7F5] =	sst s13  }
0x2e: {  	s17 =	sadd.s32 $0x4AD00, s5;
	s16 =	sadd.s32 s4, s14;
	[smem:$0x7F6] =	sst s15  }
0x2f: {  	s20 =	sadd.s32 $0x4EC00, s5;
	s18 =	sadd.s32 s30, s17;
	[smem:$0x7F7] =	sst s16  }
0x30: {  	s23 =	sadd.s32 $0x52B00, s5;
	s19 =	sadd.s32 s4, s17;
	[smem:$0x7F8] =	sst s18  }
0x31: {  	s21 =	sadd.s32 s30, s20;
	s22 =	sadd.s32 s4, s20;
	[smem:$0x7F9] =	sst s19  }
0x32: {  	s24 =	sshrl.u32 s6, $0x1;
	s25 =	sadd.s32 s30, s23;
	[smem:$0x7FA] =	sst s21  }
0x33: {  	s29 =	sadd.s32 s4, s23;
	s8 =	sadd.s32 $0x5E800, s5;
	[smem:$0x7FB] =	sst s22  }
0x34: {  	s11 =	sadd.s32 $0x6A500, s5;
	[smem:$0x7FC] =	sst s25;
	s31 =	sadd.s32 $0x56A00, s5  }
0x35: {  	s6 =	ssub.s32 s6, s24;
	[smem:$0x7FD] =	sst s29;
	s7 =	sadd.s32 $0x5A900, s5  }
0x36: {  	s21 =	sadd.s32 s30, s8;
	s20 =	sadd.s32 s4, s8;
	s9 =	sadd.s32 $0x62700, s5  }
0x37: {  	s10 =	sadd.s32 $0x66600, s5;
	s12 =	sadd.s32 $0x6E400, s5;
	s15 =	sadd.s32 s30, s11  }
0x38: {  	s25 =	sadd.s32 s30, s31;
	s24 =	sadd.s32 s4, s31;
	s31 =	smax.u32 s6, $0x1  }
0x39: {  	s14 =	sadd.s32 s4, s11;
	s29 =	sadd.s32 $0x72300, s5;
	s1 =	sadd.s32 $0xFFFFFFFF, s31  }
0x3a: {  	s5 =	sadd.s32 $0x76200, s5;
	s23 =	sadd.s32 s30, s7;
	p3 =	sne.s32 s1, $0x0  }
.Ltmp0:
0x3b: {  	s22 =	sadd.s32 s4, s7;
	s19 =	sadd.s32 s30, s9;
	(pc) =	sbr.rel @!p3 .LBB2_1-.Ltmp0, $4  }
0x3c: {  	s18 =	sadd.s32 s4, s9;
	s17 =	sadd.s32 s30, s10;
	s16 =	sadd.s32 s4, s10  }
0x3d: {  	s13 =	sadd.s32 s30, s12;
	s12 =	sadd.s32 s4, s12;
	s11 =	sadd.s32 s30, s29  }
0x3e: {  	s9 =	sadd.s32 s4, s29;
	s8 =	sadd.s32 s30, s5;
	s7 =	sadd.s32 s4, s5  }
0x3f: {  	s6 =	sadd.s32 $0xF42800, s0;
	s5 =	sadd.s32 $0x1E84E00, s0;
	s10 =	simm.s32 $0x1  }
0x40: {  	[tilespmem:s3], [sflag:$0x1] =	stream.linear.gather [hbm4b:s2+s3], $0x1F800, $0x38;
	[tilespmem:$0x1FC00] =	vst v63  }
0x41: {  	_ =	swait.ge [sflag:s10], $0x1F800  }
0x42: {  	[sflag:s10] =	ssyncset.done $0x0  }
0x43: {  	s0 =	rddreg [dreg:$0x6];
	[sflag:s10] =	ssyncadd.s32 $0xFFFE0800  }
0x44: {  	[hbm4b:s0+s3] =	stream.linear.scatter [tilespmem:s3], [sflag:$0x1], $0x1F800, $0x38;
	[tilespmem:$0x1FC00] =	vst v63  }
0x45: {  	_ =	swait.ge [sflag:s10], $0x1F800  }
0x46: {  	[sflag:s10] =	ssyncset.done $0x0  }
0x47: {  	s2 =	rddreg [dreg:$0x7];
	[sflag:s10] =	ssyncadd.s32 $0xFFFE0800  }
0x48: {  	[tilespmem:s3], [sflag:$0x1] =	stream.linear.gather [hbm4b:s2+s3], $0x1F800, $0x38;
	[tilespmem:$0x1FC00] =	vst v63  }
0x49: {  	_ =	swait.ge [sflag:s10], $0x1F800  }
0x4a: {  	[sflag:s10] =	ssyncset.done $0x0  }
0x4b: {  	s26 =	rddreg [dreg:$0x8];
	[sflag:s10] =	ssyncadd.s32 $0xFFFE0800  }
0x4c: {  	[hbm4b:s26+s3] =	stream.linear.scatter [tilespmem:s3], [sflag:$0x1], $0x1F800, $0x38;
	[tilespmem:$0x1FC00] =	vst v63  }
0x4d: {  	_ =	swait.ge [sflag:s10], $0x1F800  }
0x4e: {  	[sflag:s10] =	ssyncset.done $0x0  }
0x4f: {  	s2 =	rddreg [dreg:$0x9];
	[sflag:s10] =	ssyncadd.s32 $0xFFFE0800  }
0x50: {  	[tilespmem:s3], [sflag:$0x1] =	stream.linear.gather [hbm4b:s2+s3], $0x1F800, $0x38;
	[tilespmem:$0x1FC00] =	vst v63  }
0x51: {  	_ =	swait.ge [sflag:s10], $0x1F800  }
0x52: {  	[sflag:s10] =	ssyncset.done $0x0  }
0x53: {  	s26 =	rddreg [dreg:$0xa];
	[sflag:s10] =	ssyncadd.s32 $0xFFFE0800  }
0x54: {  	[hbm4b:s26+s3] =	stream.linear.scatter [tilespmem:s3], [sflag:$0x1], $0x1F800, $0x38;
	[tilespmem:$0x1FC00] =	vst v63  }
0x55: {  	_ =	swait.ge [sflag:s10], $0x1F800  }
0x56: {  	[sflag:s10] =	ssyncset.done $0x0  }
0x57: {  	s2 =	rddreg [dreg:$0xb];
	[sflag:s10] =	ssyncadd.s32 $0xFFFE0800  }
0x58: {  	[tilespmem:s3], [sflag:$0x1] =	stream.linear.gather [hbm4b:s2+s3], $0x1F800, $0x38;
	[tilespmem:$0x1FC00] =	vst v63  }
0x59: {  	_ =	swait.ge [sflag:s10], $0x1F800  }
0x5a: {  	[sflag:s10] =	ssyncset.done $0x0  }
0x5b: {  	s26 =	rddreg [dreg:$0xc];
	[sflag:s10] =	ssyncadd.s32 $0xFFFE0800  }
0x5c: {  	[hbm4b:s26+s3] =	stream.linear.scatter [tilespmem:s3], [sflag:$0x1], $0x1F800, $0x38;
	[tilespmem:$0x1FC00] =	vst v63  }
0x5d: {  	_ =	swait.ge [sflag:s10], $0x1F800  }
0x5e: {  	[sflag:s10] =	ssyncset.done $0x0  }
0x5f: {  	s2 =	rddreg [dreg:$0xd];
	[sflag:s10] =	ssyncadd.s32 $0xFFFE0800  }
0x60: {  	[tilespmem:s3], [sflag:$0x1] =	stream.linear.gather [hbm4b:s2+s3], $0x1F800, $0x38;
	[tilespmem:$0x1FC00] =	vst v63  }
0x61: {  	_ =	swait.ge [sflag:s10], $0x1F800  }
0x62: {  	[sflag:s10] =	ssyncset.done $0x0  }
0x63: {  	s26 =	rddreg [dreg:$0xe];
	[sflag:s10] =	ssyncadd.s32 $0xFFFE0800  }
0x64: {  	[hbm4b:s26+s3] =	stream.linear.scatter [tilespmem:s3], [sflag:$0x1], $0x1F800, $0x38;
	[tilespmem:$0x1FC00] =	vst v63  }
0x65: {  	_ =	swait.ge [sflag:s10], $0x1F800  }
0x66: {  	[sflag:s10] =	ssyncset.done $0x0  }
0x67: {  	s2 =	rddreg [dreg:$0xf];
	[sflag:s10] =	ssyncadd.s32 $0xFFFE0800  }
0x68: {  	[tilespmem:s3], [sflag:$0x1] =	stream.linear.gather [hbm4b:s2+s3], $0x1F800, $0x38;
	[tilespmem:$0x1FC00] =	vst v63  }
0x69: {  	_ =	swait.ge [sflag:s10], $0x1F800  }
0x6a: {  	[sflag:s10] =	ssyncset.done $0x0  }
0x6b: {  	s26 =	rddreg [dreg:$0x10];
	[sflag:s10] =	ssyncadd.s32 $0xFFFE0800  }
0x6c: {  	[hbm4b:s26+s3] =	stream.linear.scatter [tilespmem:s3], [sflag:$0x1], $0x1F800, $0x38;
	[tilespmem:$0x1FC00] =	vst v63  }
0x6d: {  	_ =	swait.ge [sflag:s10], $0x1F800  }
0x6e: {  	[sflag:s10] =	ssyncset.done $0x0  }
0x6f: {  	s2 =	rddreg [dreg:$0x11];
	[sflag:s10] =	ssyncadd.s32 $0xFFFE0800  }
0x70: {  	[tilespmem:s3], [sflag:$0x1] =	stream.linear.gather [hbm4b:s2+s3], $0x1F800, $0x38;
	[tilespmem:$0x1FC00] =	vst v63  }
0x71: {  	_ =	swait.ge [sflag:s10], $0x1F800  }
0x72: {  	[sflag:s10] =	ssyncset.done $0x0  }
0x73: {  	s26 =	rddreg [dreg:$0x12];
	[sflag:s10] =	ssyncadd.s32 $0xFFFE0800  }
0x74: {  	[hbm4b:s26+s3] =	stream.linear.scatter [tilespmem:s3], [sflag:$0x1], $0x1F800, $0x38;
	[tilespmem:$0x1FC00] =	vst v63  }
0x75: {  	_ =	swait.ge [sflag:s10], $0x1F800  }
0x76: {  	[sflag:s10] =	ssyncset.done $0x0  }
0x77: {  	s2 =	rddreg [dreg:$0x13];
	[sflag:s10] =	ssyncadd.s32 $0xFFFE0800  }
0x78: {  	[tilespmem:s3], [sflag:$0x1] =	stream.linear.gather [hbm4b:s2+s3], $0x1F800, $0x38;
	[tilespmem:$0x1FC00] =	vst v63  }
0x79: {  	_ =	swait.ge [sflag:s10], $0x1F800  }
0x7a: {  	[sflag:s10] =	ssyncset.done $0x0  }
0x7b: {  	s26 =	rddreg [dreg:$0x14];
	[sflag:s10] =	ssyncadd.s32 $0xFFFE0800  }
0x7c: {  	[hbm4b:s26+s3] =	stream.linear.scatter [tilespmem:s3], [sflag:$0x1], $0x1F800, $0x38;
	[tilespmem:$0x1FC00] =	vst v63  }
0x7d: {  	_ =	swait.ge [sflag:s10], $0x1F800  }
0x7e: {  	[sflag:s10] =	ssyncset.done $0x0  }
0x7f: {  	s2 =	rddreg [dreg:$0x15];
	[sflag:s10] =	ssyncadd.s32 $0xFFFE0800  }
0x80: {  	[tilespmem:s3], [sflag:$0x1] =	stream.linear.gather [hbm4b:s2+s3], $0x1F800, $0x38;
	[tilespmem:$0x1FC00] =	vst v63  }
0x81: {  	_ =	swait.ge [sflag:s10], $0x1F800  }
0x82: {  	[sflag:s10] =	ssyncset.done $0x0  }
0x83: {  	s26 =	rddreg [dreg:$0x16];
	[sflag:s10] =	ssyncadd.s32 $0xFFFE0800  }
0x84: {  	[hbm4b:s26+s3] =	stream.linear.scatter [tilespmem:s3], [sflag:$0x1], $0x1F800, $0x38;
	[tilespmem:$0x1FC00] =	vst v63  }
0x85: {  	_ =	swait.ge [sflag:s10], $0x1F800  }
0x86: {  	[sflag:s10] =	ssyncset.done $0x0  }
0x87: {  	s2 =	rddreg [dreg:$0x17];
	[sflag:s10] =	ssyncadd.s32 $0xFFFE0800  }
0x88: {  	[tilespmem:s3], [sflag:$0x1] =	stream.linear.gather [hbm4b:s2+s3], $0x1F800, $0x38;
	[tilespmem:$0x1FC00] =	vst v63  }
0x89: {  	_ =	swait.ge [sflag:s10], $0x1F800  }
0x8a: {  	[sflag:s10] =	ssyncset.done $0x0  }
0x8b: {  	s26 =	rddreg [dreg:$0x18];
	[sflag:s10] =	ssyncadd.s32 $0xFFFE0800  }
0x8c: {  	[hbm4b:s26+s3] =	stream.linear.scatter [tilespmem:s3], [sflag:$0x1], $0x1F800, $0x38;
	[tilespmem:$0x1FC00] =	vst v63  }
0x8d: {  	_ =	swait.ge [sflag:s10], $0x1F800  }
0x8e: {  	[sflag:s10] =	ssyncset.done $0x0  }
0x8f: {  	s2 =	rddreg [dreg:$0x19];
	[sflag:s10] =	ssyncadd.s32 $0xFFFE0800  }
0x90: {  	[tilespmem:s3], [sflag:$0x1] =	stream.linear.gather [hbm4b:s2+s3], $0x1F800, $0x38;
	[tilespmem:$0x1FC00] =	vst v63  }
0x91: {  	_ =	swait.ge [sflag:s10], $0x1F800  }
0x92: {  	[sflag:s10] =	ssyncset.done $0x0  }
0x93: {  	s26 =	rddreg [dreg:$0x1a];
	[sflag:s10] =	ssyncadd.s32 $0xFFFE0800  }
0x94: {  	[hbm4b:s26+s3] =	stream.linear.scatter [tilespmem:s3], [sflag:$0x1], $0x1F800, $0x38;
	[tilespmem:$0x1FC00] =	vst v63  }
0x95: {  	_ =	swait.ge [sflag:s10], $0x1F800  }
0x96: {  	[sflag:s10] =	ssyncset.done $0x0  }
0x97: {  	s2 =	rddreg [dreg:$0x1b];
	[sflag:s10] =	ssyncadd.s32 $0xFFFE0800  }
0x98: {  	[tilespmem:s3], [sflag:$0x1] =	stream.linear.gather [hbm4b:s2+s3], $0x1F800, $0x38;
	[tilespmem:$0x1FC00] =	vst v63  }
0x99: {  	_ =	swait.ge [sflag:s10], $0x1F800  }
0x9a: {  	[sflag:s10] =	ssyncset.done $0x0  }
0x9b: {  	s26 =	rddreg [dreg:$0x1c];
	[sflag:s10] =	ssyncadd.s32 $0xFFFE0800  }
0x9c: {  	[hbm4b:s26+s3] =	stream.linear.scatter [tilespmem:s3], [sflag:$0x1], $0x1F800, $0x38;
	[tilespmem:$0x1FC00] =	vst v63  }
0x9d: {  	_ =	swait.ge [sflag:s10], $0x1F800  }
0x9e: {  	[sflag:s10] =	ssyncset.done $0x0  }
0x9f: {  	s2 =	rddreg [dreg:$0x1d];
	[sflag:s10] =	ssyncadd.s32 $0xFFFE0800  }
0xa0: {  	[tilespmem:s3], [sflag:$0x1] =	stream.linear.gather [hbm4b:s2+s3], $0x1F800, $0x38;
	[tilespmem:$0x1FC00] =	vst v63  }
0xa1: {  	_ =	swait.ge [sflag:s10], $0x1F800  }
0xa2: {  	[sflag:s10] =	ssyncset.done $0x0  }
0xa3: {  	s26 =	rddreg [dreg:$0x1e];
	[sflag:s10] =	ssyncadd.s32 $0xFFFE0800  }
0xa4: {  	[hbm4b:s26+s3] =	stream.linear.scatter [tilespmem:s3], [sflag:$0x1], $0x1F800, $0x38;
	[tilespmem:$0x1FC00] =	vst v63  }
0xa5: {  	_ =	swait.ge [sflag:s10], $0x1F800  }
0xa6: {  	[sflag:s10] =	ssyncset.done $0x0  }
0xa7: {  	s2 =	rddreg [dreg:$0x1f];
	[sflag:s10] =	ssyncadd.s32 $0xFFFE0800  }
0xa8: {  	[tilespmem:s3], [sflag:$0x1] =	stream.linear.gather [hbm4b:s2+s3], $0x1F800, $0x38;
	[tilespmem:$0x1FC00] =	vst v63  }
0xa9: {  	_ =	swait.ge [sflag:s10], $0x1F800  }
0xaa: {  	s26 =	sld [smem:$0x7ED]  }
0xab: {  	[sflag:s10] =	ssyncset.done $0x0  }
0xac: {  	[sflag:s10] =	ssyncadd.s32 $0xFFFE0800  }
0xad: {  	[hbm4b:s26+s3] =	stream.linear.scatter [tilespmem:s3], [sflag:$0x1], $0x1F800, $0x38;
	[tilespmem:$0x1FC00] =	vst v63  }
0xae: {  	_ =	swait.ge [sflag:s10], $0x1F800  }
0xaf: {  	s2 =	sld [smem:$0x7EE]  }
0xb0: {  	[sflag:s10] =	ssyncset.done $0x0  }
0xb1: {  	[sflag:s10] =	ssyncadd.s32 $0xFFFE0800  }
0xb2: {  	[tilespmem:s3], [sflag:$0x1] =	stream.linear.gather [hbm4b:s2+s3], $0x1F800, $0x38;
	[tilespmem:$0x1FC00] =	vst v63  }
0xb3: {  	_ =	swait.ge [sflag:s10], $0x1F800  }
0xb4: {  	s26 =	sld [smem:$0x7EF]  }
0xb5: {  	[sflag:s10] =	ssyncset.done $0x0  }
0xb6: {  	[sflag:s10] =	ssyncadd.s32 $0xFFFE0800  }
0xb7: {  	[hbm4b:s26+s3] =	stream.linear.scatter [tilespmem:s3], [sflag:$0x1], $0x1F800, $0x38;
	[tilespmem:$0x1FC00] =	vst v63  }
0xb8: {  	_ =	swait.ge [sflag:s10], $0x1F800  }
0xb9: {  	s2 =	sld [smem:$0x7F0]  }
0xba: {  	[sflag:s10] =	ssyncset.done $0x0  }
0xbb: {  	[sflag:s10] =	ssyncadd.s32 $0xFFFE0800  }
0xbc: {  	[tilespmem:s3], [sflag:$0x1] =	stream.linear.gather [hbm4b:s2+s3], $0x1F800, $0x38;
	[tilespmem:$0x1FC00] =	vst v63  }
0xbd: {  	_ =	swait.ge [sflag:s10], $0x1F800  }
0xbe: {  	s26 =	sld [smem:$0x7F1]  }
0xbf: {  	[sflag:s10] =	ssyncset.done $0x0  }
0xc0: {  	[sflag:s10] =	ssyncadd.s32 $0xFFFE0800  }
0xc1: {  	[hbm4b:s26+s3] =	stream.linear.scatter [tilespmem:s3], [sflag:$0x1], $0x1F800, $0x38;
	[tilespmem:$0x1FC00] =	vst v63  }
0xc2: {  	_ =	swait.ge [sflag:s10], $0x1F800  }
0xc3: {  	s2 =	sld [smem:$0x7F2]  }
0xc4: {  	[sflag:s10] =	ssyncset.done $0x0  }
0xc5: {  	[sflag:s10] =	ssyncadd.s32 $0xFFFE0800  }
0xc6: {  	[tilespmem:s3], [sflag:$0x1] =	stream.linear.gather [hbm4b:s2+s3], $0x1F800, $0x38;
	[tilespmem:$0x1FC00] =	vst v63  }
0xc7: {  	_ =	swait.ge [sflag:s10], $0x1F800  }
0xc8: {  	s26 =	sld [smem:$0x7F3]  }
0xc9: {  	[sflag:s10] =	ssyncset.done $0x0  }
0xca: {  	[sflag:s10] =	ssyncadd.s32 $0xFFFE0800  }
0xcb: {  	[hbm4b:s26+s3] =	stream.linear.scatter [tilespmem:s3], [sflag:$0x1], $0x1F800, $0x38;
	[tilespmem:$0x1FC00] =	vst v63  }
0xcc: {  	_ =	swait.ge [sflag:s10], $0x1F800  }
0xcd: {  	s2 =	sld [smem:$0x7F4]  }
0xce: {  	[sflag:s10] =	ssyncset.done $0x0  }
0xcf: {  	[sflag:s10] =	ssyncadd.s32 $0xFFFE0800  }
0xd0: {  	[tilespmem:s3], [sflag:$0x1] =	stream.linear.gather [hbm4b:s2+s3], $0x1F800, $0x38;
	[tilespmem:$0x1FC00] =	vst v63  }
0xd1: {  	_ =	swait.ge [sflag:s10], $0x1F800  }
0xd2: {  	s26 =	sld [smem:$0x7F5]  }
0xd3: {  	[sflag:s10] =	ssyncset.done $0x0  }
0xd4: {  	[sflag:s10] =	ssyncadd.s32 $0xFFFE0800  }
0xd5: {  	[hbm4b:s26+s3] =	stream.linear.scatter [tilespmem:s3], [sflag:$0x1], $0x1F800, $0x38;
	[tilespmem:$0x1FC00] =	vst v63  }
0xd6: {  	_ =	swait.ge [sflag:s10], $0x1F800  }
0xd7: {  	s2 =	sld [smem:$0x7F6]  }
0xd8: {  	[sflag:s10] =	ssyncset.done $0x0  }
0xd9: {  	[sflag:s10] =	ssyncadd.s32 $0xFFFE0800  }
0xda: {  	[tilespmem:s3], [sflag:$0x1] =	stream.linear.gather [hbm4b:s2+s3], $0x1F800, $0x38;
	[tilespmem:$0x1FC00] =	vst v63  }
0xdb: {  	_ =	swait.ge [sflag:s10], $0x1F800  }
0xdc: {  	s26 =	sld [smem:$0x7F7]  }
0xdd: {  	[sflag:s10] =	ssyncset.done $0x0  }
0xde: {  	[sflag:s10] =	ssyncadd.s32 $0xFFFE0800  }
0xdf: {  	[hbm4b:s26+s3] =	stream.linear.scatter [tilespmem:s3], [sflag:$0x1], $0x1F800, $0x38;
	[tilespmem:$0x1FC00] =	vst v63  }
0xe0: {  	_ =	swait.ge [sflag:s10], $0x1F800  }
0xe1: {  	s2 =	sld [smem:$0x7F8]  }
0xe2: {  	[sflag:s10] =	ssyncset.done $0x0  }
0xe3: {  	[sflag:s10] =	ssyncadd.s32 $0xFFFE0800  }
0xe4: {  	[tilespmem:s3], [sflag:$0x1] =	stream.linear.gather [hbm4b:s2+s3], $0x1F800, $0x38;
	[tilespmem:$0x1FC00] =	vst v63  }
0xe5: {  	_ =	swait.ge [sflag:s10], $0x1F800  }
0xe6: {  	s26 =	sld [smem:$0x7F9]  }
0xe7: {  	[sflag:s10] =	ssyncset.done $0x0  }
0xe8: {  	[sflag:s10] =	ssyncadd.s32 $0xFFFE0800  }
0xe9: {  	[hbm4b:s26+s3] =	stream.linear.scatter [tilespmem:s3], [sflag:$0x1], $0x1F800, $0x38;
	[tilespmem:$0x1FC00] =	vst v63  }
0xea: {  	_ =	swait.ge [sflag:s10], $0x1F800  }
0xeb: {  	s2 =	sld [smem:$0x7FA]  }
0xec: {  	[sflag:s10] =	ssyncset.done $0x0  }
0xed: {  	[sflag:s10] =	ssyncadd.s32 $0xFFFE0800  }
0xee: {  	[tilespmem:s3], [sflag:$0x1] =	stream.linear.gather [hbm4b:s2+s3], $0x1F800, $0x38;
	[tilespmem:$0x1FC00] =	vst v63  }
0xef: {  	_ =	swait.ge [sflag:s10], $0x1F800  }
0xf0: {  	s26 =	sld [smem:$0x7FB]  }
0xf1: {  	[sflag:s10] =	ssyncset.done $0x0  }
0xf2: {  	[sflag:s10] =	ssyncadd.s32 $0xFFFE0800  }
0xf3: {  	[hbm4b:s26+s3] =	stream.linear.scatter [tilespmem:s3], [sflag:$0x1], $0x1F800, $0x38;
	[tilespmem:$0x1FC00] =	vst v63  }
0xf4: {  	_ =	swait.ge [sflag:s10], $0x1F800  }
0xf5: {  	s2 =	sld [smem:$0x7FC]  }
0xf6: {  	[sflag:s10] =	ssyncset.done $0x0  }
0xf7: {  	[sflag:s10] =	ssyncadd.s32 $0xFFFE0800  }
0xf8: {  	[tilespmem:s3], [sflag:$0x1] =	stream.linear.gather [hbm4b:s2+s3], $0x1F800, $0x38;
	[tilespmem:$0x1FC00] =	vst v63  }
0xf9: {  	_ =	swait.ge [sflag:s10], $0x1F800  }
0xfa: {  	s26 =	sld [smem:$0x7FD]  }
0xfb: {  	[sflag:s10] =	ssyncset.done $0x0  }
0xfc: {  	[sflag:s10] =	ssyncadd.s32 $0xFFFE0800  }
0xfd: {  	[hbm4b:s26+s3] =	stream.linear.scatter [tilespmem:s3], [sflag:$0x1], $0x1F800, $0x38;
	[tilespmem:$0x1FC00] =	vst v63  }
0xfe: {  	_ =	swait.ge [sflag:s10], $0x1F800  }
0xff: {  	[sflag:s10] =	ssyncset.done $0x0  }
0x100: {  	[sflag:s10] =	ssyncadd.s32 $0xFFFE0800  }
0x101: {  	[tilespmem:s3], [sflag:$0x1] =	stream.linear.gather [hbm4b:s25+s3], $0x1F800, $0x38;
	[tilespmem:$0x1FC00] =	vst v63  }
0x102: {  	_ =	swait.ge [sflag:s10], $0x1F800  }
0x103: {  	[sflag:s10] =	ssyncset.done $0x0  }
0x104: {  	[sflag:s10] =	ssyncadd.s32 $0xFFFE0800  }
0x105: {  	[hbm4b:s24+s3] =	stream.linear.scatter [tilespmem:s3], [sflag:$0x1], $0x1F800, $0x38;
	[tilespmem:$0x1FC00] =	vst v63  }
0x106: {  	_ =	swait.ge [sflag:s10], $0x1F800  }
0x107: {  	[sflag:s10] =	ssyncset.done $0x0  }
0x108: {  	[sflag:s10] =	ssyncadd.s32 $0xFFFE0800  }
0x109: {  	[tilespmem:s3], [sflag:$0x1] =	stream.linear.gather [hbm4b:s23+s3], $0x1F800, $0x38;
	[tilespmem:$0x1FC00] =	vst v63  }
0x10a: {  	_ =	swait.ge [sflag:s10], $0x1F800  }
0x10b: {  	[sflag:s10] =	ssyncset.done $0x0  }
0x10c: {  	[sflag:s10] =	ssyncadd.s32 $0xFFFE0800  }
0x10d: {  	[hbm4b:s22+s3] =	stream.linear.scatter [tilespmem:s3], [sflag:$0x1], $0x1F800, $0x38;
	[tilespmem:$0x1FC00] =	vst v63  }
0x10e: {  	_ =	swait.ge [sflag:s10], $0x1F800  }
0x10f: {  	[sflag:s10] =	ssyncset.done $0x0  }
0x110: {  	[sflag:s10] =	ssyncadd.s32 $0xFFFE0800  }
0x111: {  	[tilespmem:s3], [sflag:$0x1] =	stream.linear.gather [hbm4b:s21+s3], $0x1F800, $0x38;
	[tilespmem:$0x1FC00] =	vst v63  }
0x112: {  	_ =	swait.ge [sflag:s10], $0x1F800  }
0x113: {  	[sflag:s10] =	ssyncset.done $0x0  }
0x114: {  	[sflag:s10] =	ssyncadd.s32 $0xFFFE0800  }
0x115: {  	[hbm4b:s20+s3] =	stream.linear.scatter [tilespmem:s3], [sflag:$0x1], $0x1F800, $0x38;
	[tilespmem:$0x1FC00] =	vst v63  }
0x116: {  	_ =	swait.ge [sflag:s10], $0x1F800  }
0x117: {  	[sflag:s10] =	ssyncset.done $0x0  }
0x118: {  	[sflag:s10] =	ssyncadd.s32 $0xFFFE0800  }
0x119: {  	[tilespmem:s3], [sflag:$0x1] =	stream.linear.gather [hbm4b:s19+s3], $0x1F800, $0x38;
	[tilespmem:$0x1FC00] =	vst v63  }
0x11a: {  	_ =	swait.ge [sflag:s10], $0x1F800  }
0x11b: {  	[sflag:s10] =	ssyncset.done $0x0  }
0x11c: {  	[sflag:s10] =	ssyncadd.s32 $0xFFFE0800  }
0x11d: {  	[hbm4b:s18+s3] =	stream.linear.scatter [tilespmem:s3], [sflag:$0x1], $0x1F800, $0x38;
	[tilespmem:$0x1FC00] =	vst v63  }
0x11e: {  	_ =	swait.ge [sflag:s10], $0x1F800  }
0x11f: {  	[sflag:s10] =	ssyncset.done $0x0  }
0x120: {  	[sflag:s10] =	ssyncadd.s32 $0xFFFE0800  }
0x121: {  	[tilespmem:s3], [sflag:$0x1] =	stream.linear.gather [hbm4b:s17+s3], $0x1F800, $0x38;
	[tilespmem:$0x1FC00] =	vst v63  }
0x122: {  	_ =	swait.ge [sflag:s10], $0x1F800  }
0x123: {  	[sflag:s10] =	ssyncset.done $0x0  }
0x124: {  	[sflag:s10] =	ssyncadd.s32 $0xFFFE0800  }
0x125: {  	[hbm4b:s16+s3] =	stream.linear.scatter [tilespmem:s3], [sflag:$0x1], $0x1F800, $0x38;
	[tilespmem:$0x1FC00] =	vst v63  }
0x126: {  	_ =	swait.ge [sflag:s10], $0x1F800  }
0x127: {  	[sflag:s10] =	ssyncset.done $0x0  }
0x128: {  	[sflag:s10] =	ssyncadd.s32 $0xFFFE0800  }
0x129: {  	[tilespmem:s3], [sflag:$0x1] =	stream.linear.gather [hbm4b:s15+s3], $0x1F800, $0x38;
	[tilespmem:$0x1FC00] =	vst v63  }
0x12a: {  	_ =	swait.ge [sflag:s10], $0x1F800  }
0x12b: {  	[sflag:s10] =	ssyncset.done $0x0  }
0x12c: {  	[sflag:s10] =	ssyncadd.s32 $0xFFFE0800  }
0x12d: {  	[hbm4b:s14+s3] =	stream.linear.scatter [tilespmem:s3], [sflag:$0x1], $0x1F800, $0x38;
	[tilespmem:$0x1FC00] =	vst v63  }
0x12e: {  	_ =	swait.ge [sflag:s10], $0x1F800  }
0x12f: {  	[sflag:s10] =	ssyncset.done $0x0  }
0x130: {  	[sflag:s10] =	ssyncadd.s32 $0xFFFE0800  }
0x131: {  	[tilespmem:s3], [sflag:$0x1] =	stream.linear.gather [hbm4b:s13+s3], $0x1F800, $0x38;
	[tilespmem:$0x1FC00] =	vst v63  }
0x132: {  	_ =	swait.ge [sflag:s10], $0x1F800  }
0x133: {  	[sflag:s10] =	ssyncset.done $0x0  }
0x134: {  	[sflag:s10] =	ssyncadd.s32 $0xFFFE0800  }
0x135: {  	[hbm4b:s12+s3] =	stream.linear.scatter [tilespmem:s3], [sflag:$0x1], $0x1F800, $0x38;
	[tilespmem:$0x1FC00] =	vst v63  }
0x136: {  	_ =	swait.ge [sflag:s10], $0x1F800  }
0x137: {  	[sflag:s10] =	ssyncset.done $0x0  }
0x138: {  	[sflag:s10] =	ssyncadd.s32 $0xFFFE0800  }
0x139: {  	[tilespmem:s3], [sflag:$0x1] =	stream.linear.gather [hbm4b:s11+s3], $0x1F800, $0x38;
	[tilespmem:$0x1FC00] =	vst v63  }
0x13a: {  	_ =	swait.ge [sflag:s10], $0x1F800  }
0x13b: {  	[sflag:s10] =	ssyncset.done $0x0  }
0x13c: {  	[sflag:s10] =	ssyncadd.s32 $0xFFFE0800  }
0x13d: {  	[hbm4b:s9+s3] =	stream.linear.scatter [tilespmem:s3], [sflag:$0x1], $0x1F800, $0x38;
	[tilespmem:$0x1FC00] =	vst v63  }
0x13e: {  	_ =	swait.ge [sflag:s10], $0x1F800  }
0x13f: {  	[sflag:s10] =	ssyncset.done $0x0  }
0x140: {  	[sflag:s10] =	ssyncadd.s32 $0xFFFE0800  }
0x141: {  	[tilespmem:s3], [sflag:$0x1] =	stream.linear.gather [hbm4b:s8+s3], $0x1F800, $0x38;
	[tilespmem:$0x1FC00] =	vst v63  }
0x142: {  	_ =	swait.ge [sflag:s10], $0x1F800  }
0x143: {  	[sflag:s10] =	ssyncset.done $0x0  }
0x144: {  	[sflag:s10] =	ssyncadd.s32 $0xFFFE0800  }
0x145: {  	[hbm4b:s7+s3] =	stream.linear.scatter [tilespmem:s3], [sflag:$0x1], $0x1F800, $0x38;
	[tilespmem:$0x1FC00] =	vst v63  }
0x146: {  	_ =	swait.ge [sflag:s10], $0x1F800  }
0x147: {  	s28 =	simm.s32 @p1 $0x0;
	[sflag:s10] =	ssyncset.done $0x0  }
0x148: {  	s29 =	simm.s32 @p1 $0x1F800;
	s26 =	simm.s32 @p1 $0x1;
	[sflag:s10] =	ssyncadd.s32 $0xFFFE0800  }
0x149: {  	[tilespmem:s29], [sflag:$0x1] =	stream.linear.gather @p1 [hbm4b:s30+s28], $0x400, $0x38;
	[tilespmem:$0x1FC00] =	vst v63  }
0x14a: {  	_ =	swait.ge @p1 [sflag:s26], $0x400  }
0x14b: {  	[sflag:s26] =	ssyncset.done @p1 $0x0  }
0x14c: {  	s0 =	rddreg [dreg:$0x3];
	[sflag:s26] =	ssyncadd.s32 @p1 $0xFFFFFC00  }
0x14d: {  	[tilespmem:s29], [sflag:$0x1] =	stream.linear.gather @p1 [hbm4b:s0+s28], $0x80, $0x38;
	[tilespmem:$0x1FC00] =	vst v63  }
0x14e: {  	_ =	swait.ge @p1 [sflag:s26], $0x80  }
0x14f: {  	s0 =	rddreg [dreg:$0x4];
	[sflag:s26] =	ssyncset.done @p1 $0x0  }
0x150: {  	s2 =	simm.s32 @p1 $0x1F900;
	[smem:$0x7EC] =	sst s30;
	[sflag:s26] =	ssyncadd.s32 @p1 $0xFFFFFF80  }
0x151: {  	[tilespmem:s2], [sflag:$0x1] =	stream.linear.gather @p1 [hbm4b:s0+s28], $0x80, $0x38;
	[tilespmem:$0x1FC00] =	vst v63  }
0x152: {  	_ =	swait.ge @p1 [sflag:s26], $0x80  }
0x153: {  	[sflag:s26] =	ssyncset.done @p1 $0x0  }
0x154: {  	[sflag:s26] =	ssyncadd.s32 @p1 $0xFFFFFF80  }
0x155: {  	[hbm4b:s4+s28] =	stream.linear.scatter @p1 [tilespmem:s29], [sflag:$0x1], $0x400, $0x38;
	[tilespmem:$0x1FC00] =	vst v63  }
0x156: {  	_ =	swait.ge @p1 [sflag:s26], $0x400  }
0x157: {  	s31 =	simm.s32 @!p0 $0x1;
	[sflag:s26] =	ssyncset.done @p1 $0x0  }
0x158: {  	s1 =	sadd.s32 $0xFFFFFFFF, s1;
	s30 =	simm.s32 @!p0 $0x0;
	[sflag:s26] =	ssyncadd.s32 @p1 $0xFFFFFC00  }
0x159: {  	[tilespmem:s30], [sflag:$0x1] =	stream.linear.gather @!p0 [hbm4b:s6+s30], $0x2000, $0x38;
	[tilespmem:$0x1FC00] =	vst v63  }
0x15a: {  	p3 =	sne.s32 s1, $0x0;
	_ =	swait.ge @!p0 [sflag:s31], $0x2000  }
.Ltmp1:
0x15b: {  	[sflag:s31] =	ssyncset.done @!p0 $0x0;
	(pc) =	sbr.rel @!p3 .LBB2_3-.Ltmp1, $4  }
0x15c: {  	[sflag:s31] =	ssyncadd.s32 @!p0 $0xFFFFE000  }
0x15d: {  	[hbm4b:s5+s30] =	stream.linear.scatter @!p0 [tilespmem:s30], [sflag:$0x1], $0x2000, $0x38;
	[tilespmem:$0x1FC00] =	vst v63  }
0x15e: {  	_ =	swait.ge @!p0 [sflag:s31], $0x2000  }
0x15f: {  	p2 =	por $0x1, $0x1;
	s2 =	rddreg [dreg:$0x5];
	[sflag:s31] =	ssyncset.done @!p0 $0x0  }
.LBB2_4:
0x160: {  	[sflag:s31] =	ssyncadd.s32 @!p0 $0xFFFFE000  }
0x161: {  	[tilespmem:s3], [sflag:$0x1] =	stream.linear.gather [hbm4b:s2+s3], $0x1F800, $0x38;
	[tilespmem:$0x1FC00] =	vst v63  }
0x162: {  	_ =	swait.ge [sflag:s10], $0x1F800  }
0x163: {  	[sflag:s10] =	ssyncset.done $0x0  }
0x164: {  	s0 =	rddreg [dreg:$0x6];
	[sflag:s10] =	ssyncadd.s32 $0xFFFE0800  }
0x165: {  	[hbm4b:s0+s3] =	stream.linear.scatter [tilespmem:s3], [sflag:$0x1], $0x1F800, $0x38;
	[tilespmem:$0x1FC00] =	vst v63  }
0x166: {  	_ =	swait.ge [sflag:s10], $0x1F800  }
0x167: {  	[sflag:s10] =	ssyncset.done $0x0  }
0x168: {  	s0 =	rddreg [dreg:$0x7];
	[sflag:s10] =	ssyncadd.s32 $0xFFFE0800  }
0x169: {  	[tilespmem:s3], [sflag:$0x1] =	stream.linear.gather [hbm4b:s0+s3], $0x1F800, $0x38;
	[tilespmem:$0x1FC00] =	vst v63  }
0x16a: {  	_ =	swait.ge [sflag:s10], $0x1F800  }
0x16b: {  	[sflag:s10] =	ssyncset.done $0x0  }
0x16c: {  	s0 =	rddreg [dreg:$0x8];
	[sflag:s10] =	ssyncadd.s32 $0xFFFE0800  }
0x16d: {  	[hbm4b:s0+s3] =	stream.linear.scatter [tilespmem:s3], [sflag:$0x1], $0x1F800, $0x38;
	[tilespmem:$0x1FC00] =	vst v63  }
0x16e: {  	_ =	swait.ge [sflag:s10], $0x1F800  }
0x16f: {  	[sflag:s10] =	ssyncset.done $0x0  }
0x170: {  	s0 =	rddreg [dreg:$0x9];
	[sflag:s10] =	ssyncadd.s32 $0xFFFE0800  }
0x171: {  	[tilespmem:s3], [sflag:$0x1] =	stream.linear.gather [hbm4b:s0+s3], $0x1F800, $0x38;
	[tilespmem:$0x1FC00] =	vst v63  }
0x172: {  	_ =	swait.ge [sflag:s10], $0x1F800  }
0x173: {  	[sflag:s10] =	ssyncset.done $0x0  }
0x174: {  	s0 =	rddreg [dreg:$0xa];
	[sflag:s10] =	ssyncadd.s32 $0xFFFE0800  }
0x175: {  	[hbm4b:s0+s3] =	stream.linear.scatter [tilespmem:s3], [sflag:$0x1], $0x1F800, $0x38;
	[tilespmem:$0x1FC00] =	vst v63  }
0x176: {  	_ =	swait.ge [sflag:s10], $0x1F800  }
0x177: {  	[sflag:s10] =	ssyncset.done $0x0  }
0x178: {  	s0 =	rddreg [dreg:$0xb];
	[sflag:s10] =	ssyncadd.s32 $0xFFFE0800  }
0x179: {  	[tilespmem:s3], [sflag:$0x1] =	stream.linear.gather [hbm4b:s0+s3], $0x1F800, $0x38;
	[tilespmem:$0x1FC00] =	vst v63  }
0x17a: {  	_ =	swait.ge [sflag:s10], $0x1F800  }
0x17b: {  	[sflag:s10] =	ssyncset.done $0x0  }
0x17c: {  	s0 =	rddreg [dreg:$0xc];
	[sflag:s10] =	ssyncadd.s32 $0xFFFE0800  }
0x17d: {  	[hbm4b:s0+s3] =	stream.linear.scatter [tilespmem:s3], [sflag:$0x1], $0x1F800, $0x38;
	[tilespmem:$0x1FC00] =	vst v63  }
0x17e: {  	_ =	swait.ge [sflag:s10], $0x1F800  }
0x17f: {  	[sflag:s10] =	ssyncset.done $0x0  }
0x180: {  	s0 =	rddreg [dreg:$0xd];
	[sflag:s10] =	ssyncadd.s32 $0xFFFE0800  }
0x181: {  	[tilespmem:s3], [sflag:$0x1] =	stream.linear.gather [hbm4b:s0+s3], $0x1F800, $0x38;
	[tilespmem:$0x1FC00] =	vst v63  }
0x182: {  	_ =	swait.ge [sflag:s10], $0x1F800  }
0x183: {  	[sflag:s10] =	ssyncset.done $0x0  }
0x184: {  	s0 =	rddreg [dreg:$0xe];
	[sflag:s10] =	ssyncadd.s32 $0xFFFE0800  }
0x185: {  	[hbm4b:s0+s3] =	stream.linear.scatter [tilespmem:s3], [sflag:$0x1], $0x1F800, $0x38;
	[tilespmem:$0x1FC00] =	vst v63  }
0x186: {  	_ =	swait.ge [sflag:s10], $0x1F800  }
0x187: {  	[sflag:s10] =	ssyncset.done $0x0  }
0x188: {  	s0 =	rddreg [dreg:$0xf];
	[sflag:s10] =	ssyncadd.s32 $0xFFFE0800  }
0x189: {  	[tilespmem:s3], [sflag:$0x1] =	stream.linear.gather [hbm4b:s0+s3], $0x1F800, $0x38;
	[tilespmem:$0x1FC00] =	vst v63  }
0x18a: {  	_ =	swait.ge [sflag:s10], $0x1F800  }
0x18b: {  	[sflag:s10] =	ssyncset.done $0x0  }
0x18c: {  	s0 =	rddreg [dreg:$0x10];
	[sflag:s10] =	ssyncadd.s32 $0xFFFE0800  }
0x18d: {  	[hbm4b:s0+s3] =	stream.linear.scatter [tilespmem:s3], [sflag:$0x1], $0x1F800, $0x38;
	[tilespmem:$0x1FC00] =	vst v63  }
0x18e: {  	_ =	swait.ge [sflag:s10], $0x1F800  }
0x18f: {  	[sflag:s10] =	ssyncset.done $0x0  }
0x190: {  	s0 =	rddreg [dreg:$0x11];
	[sflag:s10] =	ssyncadd.s32 $0xFFFE0800  }
0x191: {  	[tilespmem:s3], [sflag:$0x1] =	stream.linear.gather [hbm4b:s0+s3], $0x1F800, $0x38;
	[tilespmem:$0x1FC00] =	vst v63  }
0x192: {  	_ =	swait.ge [sflag:s10], $0x1F800  }
0x193: {  	[sflag:s10] =	ssyncset.done $0x0  }
0x194: {  	s0 =	rddreg [dreg:$0x12];
	[sflag:s10] =	ssyncadd.s32 $0xFFFE0800  }
0x195: {  	[hbm4b:s0+s3] =	stream.linear.scatter [tilespmem:s3], [sflag:$0x1], $0x1F800, $0x38;
	[tilespmem:$0x1FC00] =	vst v63  }
0x196: {  	_ =	swait.ge [sflag:s10], $0x1F800  }
0x197: {  	[sflag:s10] =	ssyncset.done $0x0  }
0x198: {  	s0 =	rddreg [dreg:$0x13];
	[sflag:s10] =	ssyncadd.s32 $0xFFFE0800  }
0x199: {  	[tilespmem:s3], [sflag:$0x1] =	stream.linear.gather [hbm4b:s0+s3], $0x1F800, $0x38;
	[tilespmem:$0x1FC00] =	vst v63  }
0x19a: {  	_ =	swait.ge [sflag:s10], $0x1F800  }
0x19b: {  	[sflag:s10] =	ssyncset.done $0x0  }
0x19c: {  	s0 =	rddreg [dreg:$0x14];
	[sflag:s10] =	ssyncadd.s32 $0xFFFE0800  }
0x19d: {  	[hbm4b:s0+s3] =	stream.linear.scatter [tilespmem:s3], [sflag:$0x1], $0x1F800, $0x38;
	[tilespmem:$0x1FC00] =	vst v63  }
0x19e: {  	_ =	swait.ge [sflag:s10], $0x1F800  }
0x19f: {  	[sflag:s10] =	ssyncset.done $0x0  }
0x1a0: {  	s0 =	rddreg [dreg:$0x15];
	[sflag:s10] =	ssyncadd.s32 $0xFFFE0800  }
0x1a1: {  	[tilespmem:s3], [sflag:$0x1] =	stream.linear.gather [hbm4b:s0+s3], $0x1F800, $0x38;
	[tilespmem:$0x1FC00] =	vst v63  }
0x1a2: {  	_ =	swait.ge [sflag:s10], $0x1F800  }
0x1a3: {  	[sflag:s10] =	ssyncset.done $0x0  }
0x1a4: {  	s0 =	rddreg [dreg:$0x16];
	[sflag:s10] =	ssyncadd.s32 $0xFFFE0800  }
0x1a5: {  	[hbm4b:s0+s3] =	stream.linear.scatter [tilespmem:s3], [sflag:$0x1], $0x1F800, $0x38;
	[tilespmem:$0x1FC00] =	vst v63  }
0x1a6: {  	_ =	swait.ge [sflag:s10], $0x1F800  }
0x1a7: {  	[sflag:s10] =	ssyncset.done $0x0  }
0x1a8: {  	s0 =	rddreg [dreg:$0x17];
	[sflag:s10] =	ssyncadd.s32 $0xFFFE0800  }
0x1a9: {  	[tilespmem:s3], [sflag:$0x1] =	stream.linear.gather [hbm4b:s0+s3], $0x1F800, $0x38;
	[tilespmem:$0x1FC00] =	vst v63  }
0x1aa: {  	_ =	swait.ge [sflag:s10], $0x1F800  }
0x1ab: {  	[sflag:s10] =	ssyncset.done $0x0  }
0x1ac: {  	s0 =	rddreg [dreg:$0x18];
	[sflag:s10] =	ssyncadd.s32 $0xFFFE0800  }
0x1ad: {  	[hbm4b:s0+s3] =	stream.linear.scatter [tilespmem:s3], [sflag:$0x1], $0x1F800, $0x38;
	[tilespmem:$0x1FC00] =	vst v63  }
0x1ae: {  	_ =	swait.ge [sflag:s10], $0x1F800  }
0x1af: {  	[sflag:s10] =	ssyncset.done $0x0  }
0x1b0: {  	s0 =	rddreg [dreg:$0x19];
	[sflag:s10] =	ssyncadd.s32 $0xFFFE0800  }
0x1b1: {  	[tilespmem:s3], [sflag:$0x1] =	stream.linear.gather [hbm4b:s0+s3], $0x1F800, $0x38;
	[tilespmem:$0x1FC00] =	vst v63  }
0x1b2: {  	_ =	swait.ge [sflag:s10], $0x1F800  }
0x1b3: {  	[sflag:s10] =	ssyncset.done $0x0  }
0x1b4: {  	s0 =	rddreg [dreg:$0x1a];
	[sflag:s10] =	ssyncadd.s32 $0xFFFE0800  }
0x1b5: {  	[hbm4b:s0+s3] =	stream.linear.scatter [tilespmem:s3], [sflag:$0x1], $0x1F800, $0x38;
	[tilespmem:$0x1FC00] =	vst v63  }
0x1b6: {  	_ =	swait.ge [sflag:s10], $0x1F800  }
0x1b7: {  	[sflag:s10] =	ssyncset.done $0x0  }
0x1b8: {  	s0 =	rddreg [dreg:$0x1b];
	[sflag:s10] =	ssyncadd.s32 $0xFFFE0800  }
0x1b9: {  	[tilespmem:s3], [sflag:$0x1] =	stream.linear.gather [hbm4b:s0+s3], $0x1F800, $0x38;
	[tilespmem:$0x1FC00] =	vst v63  }
0x1ba: {  	_ =	swait.ge [sflag:s10], $0x1F800  }
0x1bb: {  	[sflag:s10] =	ssyncset.done $0x0  }
0x1bc: {  	s0 =	rddreg [dreg:$0x1c];
	[sflag:s10] =	ssyncadd.s32 $0xFFFE0800  }
0x1bd: {  	[hbm4b:s0+s3] =	stream.linear.scatter [tilespmem:s3], [sflag:$0x1], $0x1F800, $0x38;
	[tilespmem:$0x1FC00] =	vst v63  }
0x1be: {  	_ =	swait.ge [sflag:s10], $0x1F800  }
0x1bf: {  	[sflag:s10] =	ssyncset.done $0x0  }
0x1c0: {  	s0 =	rddreg [dreg:$0x1d];
	[sflag:s10] =	ssyncadd.s32 $0xFFFE0800  }
0x1c1: {  	[tilespmem:s3], [sflag:$0x1] =	stream.linear.gather [hbm4b:s0+s3], $0x1F800, $0x38;
	[tilespmem:$0x1FC00] =	vst v63  }
0x1c2: {  	_ =	swait.ge [sflag:s10], $0x1F800  }
0x1c3: {  	[sflag:s10] =	ssyncset.done $0x0  }
0x1c4: {  	s0 =	rddreg [dreg:$0x1e];
	[sflag:s10] =	ssyncadd.s32 $0xFFFE0800  }
0x1c5: {  	[hbm4b:s0+s3] =	stream.linear.scatter [tilespmem:s3], [sflag:$0x1], $0x1F800, $0x38;
	[tilespmem:$0x1FC00] =	vst v63  }
0x1c6: {  	_ =	swait.ge [sflag:s10], $0x1F800  }
0x1c7: {  	[sflag:s10] =	ssyncset.done $0x0  }
0x1c8: {  	s0 =	rddreg [dreg:$0x1f];
	[sflag:s10] =	ssyncadd.s32 $0xFFFE0800  }
0x1c9: {  	[tilespmem:s3], [sflag:$0x1] =	stream.linear.gather [hbm4b:s0+s3], $0x1F800, $0x38;
	[tilespmem:$0x1FC00] =	vst v63  }
0x1ca: {  	_ =	swait.ge [sflag:s10], $0x1F800  }
0x1cb: {  	s0 =	sld [smem:$0x7ED]  }
0x1cc: {  	[sflag:s10] =	ssyncset.done $0x0  }
0x1cd: {  	[sflag:s10] =	ssyncadd.s32 $0xFFFE0800  }
0x1ce: {  	[hbm4b:s0+s3] =	stream.linear.scatter [tilespmem:s3], [sflag:$0x1], $0x1F800, $0x38;
	[tilespmem:$0x1FC00] =	vst v63  }
0x1cf: {  	_ =	swait.ge [sflag:s10], $0x1F800  }
0x1d0: {  	s0 =	sld [smem:$0x7EE]  }
0x1d1: {  	[sflag:s10] =	ssyncset.done $0x0  }
0x1d2: {  	[sflag:s10] =	ssyncadd.s32 $0xFFFE0800  }
0x1d3: {  	[tilespmem:s3], [sflag:$0x1] =	stream.linear.gather [hbm4b:s0+s3], $0x1F800, $0x38;
	[tilespmem:$0x1FC00] =	vst v63  }
0x1d4: {  	_ =	swait.ge [sflag:s10], $0x1F800  }
0x1d5: {  	s0 =	sld [smem:$0x7EF]  }
0x1d6: {  	[sflag:s10] =	ssyncset.done $0x0  }
0x1d7: {  	[sflag:s10] =	ssyncadd.s32 $0xFFFE0800  }
0x1d8: {  	[hbm4b:s0+s3] =	stream.linear.scatter [tilespmem:s3], [sflag:$0x1], $0x1F800, $0x38;
	[tilespmem:$0x1FC00] =	vst v63  }
0x1d9: {  	_ =	swait.ge [sflag:s10], $0x1F800  }
0x1da: {  	s0 =	sld [smem:$0x7F0]  }
0x1db: {  	[sflag:s10] =	ssyncset.done $0x0  }
0x1dc: {  	[sflag:s10] =	ssyncadd.s32 $0xFFFE0800  }
0x1dd: {  	[tilespmem:s3], [sflag:$0x1] =	stream.linear.gather [hbm4b:s0+s3], $0x1F800, $0x38;
	[tilespmem:$0x1FC00] =	vst v63  }
0x1de: {  	_ =	swait.ge [sflag:s10], $0x1F800  }
0x1df: {  	s0 =	sld [smem:$0x7F1]  }
0x1e0: {  	[sflag:s10] =	ssyncset.done $0x0  }
0x1e1: {  	[sflag:s10] =	ssyncadd.s32 $0xFFFE0800  }
0x1e2: {  	[hbm4b:s0+s3] =	stream.linear.scatter [tilespmem:s3], [sflag:$0x1], $0x1F800, $0x38;
	[tilespmem:$0x1FC00] =	vst v63  }
0x1e3: {  	_ =	swait.ge [sflag:s10], $0x1F800  }
0x1e4: {  	s0 =	sld [smem:$0x7F2]  }
0x1e5: {  	[sflag:s10] =	ssyncset.done $0x0  }
0x1e6: {  	[sflag:s10] =	ssyncadd.s32 $0xFFFE0800  }
0x1e7: {  	[tilespmem:s3], [sflag:$0x1] =	stream.linear.gather [hbm4b:s0+s3], $0x1F800, $0x38;
	[tilespmem:$0x1FC00] =	vst v63  }
0x1e8: {  	_ =	swait.ge [sflag:s10], $0x1F800  }
0x1e9: {  	s0 =	sld [smem:$0x7F3]  }
0x1ea: {  	[sflag:s10] =	ssyncset.done $0x0  }
0x1eb: {  	[sflag:s10] =	ssyncadd.s32 $0xFFFE0800  }
0x1ec: {  	[hbm4b:s0+s3] =	stream.linear.scatter [tilespmem:s3], [sflag:$0x1], $0x1F800, $0x38;
	[tilespmem:$0x1FC00] =	vst v63  }
0x1ed: {  	_ =	swait.ge [sflag:s10], $0x1F800  }
0x1ee: {  	s0 =	sld [smem:$0x7F4]  }
0x1ef: {  	[sflag:s10] =	ssyncset.done $0x0  }
0x1f0: {  	[sflag:s10] =	ssyncadd.s32 $0xFFFE0800  }
0x1f1: {  	[tilespmem:s3], [sflag:$0x1] =	stream.linear.gather [hbm4b:s0+s3], $0x1F800, $0x38;
	[tilespmem:$0x1FC00] =	vst v63  }
0x1f2: {  	_ =	swait.ge [sflag:s10], $0x1F800  }
0x1f3: {  	s0 =	sld [smem:$0x7F5]  }
0x1f4: {  	[sflag:s10] =	ssyncset.done $0x0  }
0x1f5: {  	[sflag:s10] =	ssyncadd.s32 $0xFFFE0800  }
0x1f6: {  	[hbm4b:s0+s3] =	stream.linear.scatter [tilespmem:s3], [sflag:$0x1], $0x1F800, $0x38;
	[tilespmem:$0x1FC00] =	vst v63  }
0x1f7: {  	_ =	swait.ge [sflag:s10], $0x1F800  }
0x1f8: {  	s0 =	sld [smem:$0x7F6]  }
0x1f9: {  	[sflag:s10] =	ssyncset.done $0x0  }
0x1fa: {  	[sflag:s10] =	ssyncadd.s32 $0xFFFE0800  }
0x1fb: {  	[tilespmem:s3], [sflag:$0x1] =	stream.linear.gather [hbm4b:s0+s3], $0x1F800, $0x38;
	[tilespmem:$0x1FC00] =	vst v63  }
0x1fc: {  	_ =	swait.ge [sflag:s10], $0x1F800  }
0x1fd: {  	s0 =	sld [smem:$0x7F7]  }
0x1fe: {  	[sflag:s10] =	ssyncset.done $0x0  }
0x1ff: {  	[sflag:s10] =	ssyncadd.s32 $0xFFFE0800  }
0x200: {  	[hbm4b:s0+s3] =	stream.linear.scatter [tilespmem:s3], [sflag:$0x1], $0x1F800, $0x38;
	[tilespmem:$0x1FC00] =	vst v63  }
0x201: {  	_ =	swait.ge [sflag:s10], $0x1F800  }
0x202: {  	s0 =	sld [smem:$0x7F8]  }
0x203: {  	[sflag:s10] =	ssyncset.done $0x0  }
0x204: {  	[sflag:s10] =	ssyncadd.s32 $0xFFFE0800  }
0x205: {  	[tilespmem:s3], [sflag:$0x1] =	stream.linear.gather [hbm4b:s0+s3], $0x1F800, $0x38;
	[tilespmem:$0x1FC00] =	vst v63  }
0x206: {  	_ =	swait.ge [sflag:s10], $0x1F800  }
0x207: {  	s0 =	sld [smem:$0x7F9]  }
0x208: {  	[sflag:s10] =	ssyncset.done $0x0  }
0x209: {  	[sflag:s10] =	ssyncadd.s32 $0xFFFE0800  }
0x20a: {  	[hbm4b:s0+s3] =	stream.linear.scatter [tilespmem:s3], [sflag:$0x1], $0x1F800, $0x38;
	[tilespmem:$0x1FC00] =	vst v63  }
0x20b: {  	_ =	swait.ge [sflag:s10], $0x1F800  }
0x20c: {  	s0 =	sld [smem:$0x7FA]  }
0x20d: {  	[sflag:s10] =	ssyncset.done $0x0  }
0x20e: {  	[sflag:s10] =	ssyncadd.s32 $0xFFFE0800  }
0x20f: {  	[tilespmem:s3], [sflag:$0x1] =	stream.linear.gather [hbm4b:s0+s3], $0x1F800, $0x38;
	[tilespmem:$0x1FC00] =	vst v63  }
0x210: {  	_ =	swait.ge [sflag:s10], $0x1F800  }
0x211: {  	s0 =	sld [smem:$0x7FB]  }
0x212: {  	[sflag:s10] =	ssyncset.done $0x0  }
0x213: {  	[sflag:s10] =	ssyncadd.s32 $0xFFFE0800  }
0x214: {  	[hbm4b:s0+s3] =	stream.linear.scatter [tilespmem:s3], [sflag:$0x1], $0x1F800, $0x38;
	[tilespmem:$0x1FC00] =	vst v63  }
0x215: {  	_ =	swait.ge [sflag:s10], $0x1F800  }
0x216: {  	s0 =	sld [smem:$0x7FC]  }
0x217: {  	[sflag:s10] =	ssyncset.done $0x0  }
0x218: {  	[sflag:s10] =	ssyncadd.s32 $0xFFFE0800  }
0x219: {  	[tilespmem:s3], [sflag:$0x1] =	stream.linear.gather [hbm4b:s0+s3], $0x1F800, $0x38;
	[tilespmem:$0x1FC00] =	vst v63  }
0x21a: {  	_ =	swait.ge [sflag:s10], $0x1F800  }
0x21b: {  	s0 =	sld [smem:$0x7FD]  }
0x21c: {  	[sflag:s10] =	ssyncset.done $0x0  }
0x21d: {  	[sflag:s10] =	ssyncadd.s32 $0xFFFE0800  }
0x21e: {  	[hbm4b:s0+s3] =	stream.linear.scatter [tilespmem:s3], [sflag:$0x1], $0x1F800, $0x38;
	[tilespmem:$0x1FC00] =	vst v63  }
0x21f: {  	_ =	swait.ge [sflag:s10], $0x1F800  }
0x220: {  	[sflag:s10] =	ssyncset.done $0x0  }
0x221: {  	[sflag:s10] =	ssyncadd.s32 $0xFFFE0800  }
0x222: {  	[tilespmem:s3], [sflag:$0x1] =	stream.linear.gather [hbm4b:s25+s3], $0x1F800, $0x38;
	[tilespmem:$0x1FC00] =	vst v63  }
0x223: {  	_ =	swait.ge [sflag:s10], $0x1F800  }
0x224: {  	[sflag:s10] =	ssyncset.done $0x0  }
0x225: {  	[sflag:s10] =	ssyncadd.s32 $0xFFFE0800  }
0x226: {  	[hbm4b:s24+s3] =	stream.linear.scatter [tilespmem:s3], [sflag:$0x1], $0x1F800, $0x38;
	[tilespmem:$0x1FC00] =	vst v63  }
0x227: {  	_ =	swait.ge [sflag:s10], $0x1F800  }
0x228: {  	[sflag:s10] =	ssyncset.done $0x0  }
0x229: {  	[sflag:s10] =	ssyncadd.s32 $0xFFFE0800  }
0x22a: {  	[tilespmem:s3], [sflag:$0x1] =	stream.linear.gather [hbm4b:s23+s3], $0x1F800, $0x38;
	[tilespmem:$0x1FC00] =	vst v63  }
0x22b: {  	_ =	swait.ge [sflag:s10], $0x1F800  }
0x22c: {  	[sflag:s10] =	ssyncset.done $0x0  }
0x22d: {  	[sflag:s10] =	ssyncadd.s32 $0xFFFE0800  }
0x22e: {  	[hbm4b:s22+s3] =	stream.linear.scatter [tilespmem:s3], [sflag:$0x1], $0x1F800, $0x38;
	[tilespmem:$0x1FC00] =	vst v63  }
0x22f: {  	_ =	swait.ge [sflag:s10], $0x1F800  }
0x230: {  	[sflag:s10] =	ssyncset.done $0x0  }
0x231: {  	[sflag:s10] =	ssyncadd.s32 $0xFFFE0800  }
0x232: {  	[tilespmem:s3], [sflag:$0x1] =	stream.linear.gather [hbm4b:s21+s3], $0x1F800, $0x38;
	[tilespmem:$0x1FC00] =	vst v63  }
0x233: {  	_ =	swait.ge [sflag:s10], $0x1F800  }
0x234: {  	[sflag:s10] =	ssyncset.done $0x0  }
0x235: {  	[sflag:s10] =	ssyncadd.s32 $0xFFFE0800  }
0x236: {  	[hbm4b:s20+s3] =	stream.linear.scatter [tilespmem:s3], [sflag:$0x1], $0x1F800, $0x38;
	[tilespmem:$0x1FC00] =	vst v63  }
0x237: {  	_ =	swait.ge [sflag:s10], $0x1F800  }
0x238: {  	[sflag:s10] =	ssyncset.done $0x0  }
0x239: {  	[sflag:s10] =	ssyncadd.s32 $0xFFFE0800  }
0x23a: {  	[tilespmem:s3], [sflag:$0x1] =	stream.linear.gather [hbm4b:s19+s3], $0x1F800, $0x38;
	[tilespmem:$0x1FC00] =	vst v63  }
0x23b: {  	_ =	swait.ge [sflag:s10], $0x1F800  }
0x23c: {  	[sflag:s10] =	ssyncset.done $0x0  }
0x23d: {  	[sflag:s10] =	ssyncadd.s32 $0xFFFE0800  }
0x23e: {  	[hbm4b:s18+s3] =	stream.linear.scatter [tilespmem:s3], [sflag:$0x1], $0x1F800, $0x38;
	[tilespmem:$0x1FC00] =	vst v63  }
0x23f: {  	_ =	swait.ge [sflag:s10], $0x1F800  }
0x240: {  	[sflag:s10] =	ssyncset.done $0x0  }
0x241: {  	[sflag:s10] =	ssyncadd.s32 $0xFFFE0800  }
0x242: {  	[tilespmem:s3], [sflag:$0x1] =	stream.linear.gather [hbm4b:s17+s3], $0x1F800, $0x38;
	[tilespmem:$0x1FC00] =	vst v63  }
0x243: {  	_ =	swait.ge [sflag:s10], $0x1F800  }
0x244: {  	[sflag:s10] =	ssyncset.done $0x0  }
0x245: {  	[sflag:s10] =	ssyncadd.s32 $0xFFFE0800  }
0x246: {  	[hbm4b:s16+s3] =	stream.linear.scatter [tilespmem:s3], [sflag:$0x1], $0x1F800, $0x38;
	[tilespmem:$0x1FC00] =	vst v63  }
0x247: {  	_ =	swait.ge [sflag:s10], $0x1F800  }
0x248: {  	[sflag:s10] =	ssyncset.done $0x0  }
0x249: {  	[sflag:s10] =	ssyncadd.s32 $0xFFFE0800  }
0x24a: {  	[tilespmem:s3], [sflag:$0x1] =	stream.linear.gather [hbm4b:s15+s3], $0x1F800, $0x38;
	[tilespmem:$0x1FC00] =	vst v63  }
0x24b: {  	_ =	swait.ge [sflag:s10], $0x1F800  }
0x24c: {  	[sflag:s10] =	ssyncset.done $0x0  }
0x24d: {  	[sflag:s10] =	ssyncadd.s32 $0xFFFE0800  }
0x24e: {  	[hbm4b:s14+s3] =	stream.linear.scatter [tilespmem:s3], [sflag:$0x1], $0x1F800, $0x38;
	[tilespmem:$0x1FC00] =	vst v63  }
0x24f: {  	_ =	swait.ge [sflag:s10], $0x1F800  }
0x250: {  	[sflag:s10] =	ssyncset.done $0x0  }
0x251: {  	[sflag:s10] =	ssyncadd.s32 $0xFFFE0800  }
0x252: {  	[tilespmem:s3], [sflag:$0x1] =	stream.linear.gather [hbm4b:s13+s3], $0x1F800, $0x38;
	[tilespmem:$0x1FC00] =	vst v63  }
0x253: {  	_ =	swait.ge [sflag:s10], $0x1F800  }
0x254: {  	[sflag:s10] =	ssyncset.done $0x0  }
0x255: {  	[sflag:s10] =	ssyncadd.s32 $0xFFFE0800  }
0x256: {  	[hbm4b:s12+s3] =	stream.linear.scatter [tilespmem:s3], [sflag:$0x1], $0x1F800, $0x38;
	[tilespmem:$0x1FC00] =	vst v63  }
0x257: {  	_ =	swait.ge [sflag:s10], $0x1F800  }
0x258: {  	[sflag:s10] =	ssyncset.done $0x0  }
0x259: {  	[sflag:s10] =	ssyncadd.s32 $0xFFFE0800  }
0x25a: {  	[tilespmem:s3], [sflag:$0x1] =	stream.linear.gather [hbm4b:s11+s3], $0x1F800, $0x38;
	[tilespmem:$0x1FC00] =	vst v63  }
0x25b: {  	_ =	swait.ge [sflag:s10], $0x1F800  }
0x25c: {  	[sflag:s10] =	ssyncset.done $0x0  }
0x25d: {  	[sflag:s10] =	ssyncadd.s32 $0xFFFE0800  }
0x25e: {  	[hbm4b:s9+s3] =	stream.linear.scatter [tilespmem:s3], [sflag:$0x1], $0x1F800, $0x38;
	[tilespmem:$0x1FC00] =	vst v63  }
0x25f: {  	_ =	swait.ge [sflag:s10], $0x1F800  }
0x260: {  	[sflag:s10] =	ssyncset.done $0x0  }
0x261: {  	[sflag:s10] =	ssyncadd.s32 $0xFFFE0800  }
0x262: {  	[tilespmem:s3], [sflag:$0x1] =	stream.linear.gather [hbm4b:s8+s3], $0x1F800, $0x38;
	[tilespmem:$0x1FC00] =	vst v63  }
0x263: {  	_ =	swait.ge [sflag:s10], $0x1F800  }
0x264: {  	[sflag:s10] =	ssyncset.done $0x0  }
0x265: {  	[sflag:s10] =	ssyncadd.s32 $0xFFFE0800  }
0x266: {  	[hbm4b:s7+s3] =	stream.linear.scatter [tilespmem:s3], [sflag:$0x1], $0x1F800, $0x38;
	[tilespmem:$0x1FC00] =	vst v63  }
0x267: {  	_ =	swait.ge [sflag:s10], $0x1F800  }
0x268: {  	s0 =	sld [smem:$0x7EC]  }
0x269: {  	[sflag:s10] =	ssyncset.done $0x0  }
0x26a: {  	s1 =	sadd.s32 $0xFFFFFFFF, s1;
	[sflag:s10] =	ssyncadd.s32 $0xFFFE0800  }
0x26b: {  	[tilespmem:s29], [sflag:$0x1] =	stream.linear.gather @p1 [hbm4b:s0+s28], $0x400, $0x38;
	[tilespmem:$0x1FC00] =	vst v63  }
0x26c: {  	p3 =	sne.s32 s1, $0x0;
	s0 =	smov.u32 s25;
	s25 =	smov.u32 s24  }
0x26d: {  	s24 =	smov.u32 s23;
	s23 =	smov.u32 s22;
	s22 =	smov.u32 s21  }
0x26e: {  	s21 =	smov.u32 s20;
	s20 =	smov.u32 s19;
	s19 =	smov.u32 s18  }
0x26f: {  	s18 =	smov.u32 s17;
	s17 =	smov.u32 s16;
	s16 =	smov.u32 s15  }
0x270: {  	s15 =	smov.u32 s14;
	s14 =	smov.u32 s13;
	_ =	swait.ge @p1 [sflag:s26], $0x400  }
0x271: {  	s13 =	smov.u32 s12;
	s12 =	smov.u32 s11;
	[sflag:s26] =	ssyncset.done @p1 $0x0  }
0x272: {  	s11 =	smov.u32 s9;
	s2 =	rddreg [dreg:$0x3];
	[sflag:s26] =	ssyncadd.s32 @p1 $0xFFFFFC00  }
0x273: {  	[tilespmem:s29], [sflag:$0x1] =	stream.linear.gather @p1 [hbm4b:s2+s28], $0x80, $0x38;
	[tilespmem:$0x1FC00] =	vst v63  }
0x274: {  	s9 =	smov.u32 s8;
	s8 =	smov.u32 s7;
	_ =	swait.ge @p1 [sflag:s26], $0x80  }
0x275: {  	s7 =	smov.u32 s6;
	s6 =	smov.u32 s5;
	[sflag:s26] =	ssyncset.done @p1 $0x0  }
0x276: {  	s5 =	simm.s32 @p1 $0x1F900;
	s2 =	rddreg [dreg:$0x4];
	[sflag:s26] =	ssyncadd.s32 @p1 $0xFFFFFF80  }
0x277: {  	[tilespmem:s5], [sflag:$0x1] =	stream.linear.gather @p1 [hbm4b:s2+s28], $0x80, $0x38;
	[tilespmem:$0x1FC00] =	vst v63  }
0x278: {  	s5 =	smov.u32 s6;
	s6 =	smov.u32 s7;
	_ =	swait.ge @p1 [sflag:s26], $0x80  }
0x279: {  	s7 =	smov.u32 s8;
	s8 =	smov.u32 s9;
	[sflag:s26] =	ssyncset.done @p1 $0x0  }
0x27a: {  	s9 =	smov.u32 s11;
	s11 =	smov.u32 s12;
	[sflag:s26] =	ssyncadd.s32 @p1 $0xFFFFFF80  }
0x27b: {  	[hbm4b:s4+s28] =	stream.linear.scatter @p1 [tilespmem:s29], [sflag:$0x1], $0x400, $0x38;
	[tilespmem:$0x1FC00] =	vst v63  }
0x27c: {  	s12 =	smov.u32 s13;
	s13 =	smov.u32 s14;
	_ =	swait.ge @p1 [sflag:s26], $0x400  }
0x27d: {  	s14 =	smov.u32 s15;
	s15 =	smov.u32 s16;
	[sflag:s26] =	ssyncset.done @p1 $0x0  }
0x27e: {  	s16 =	smov.u32 s17;
	s17 =	smov.u32 s18;
	[sflag:s26] =	ssyncadd.s32 @p1 $0xFFFFFC00  }
0x27f: {  	[tilespmem:s30], [sflag:$0x1] =	stream.linear.gather @!p0 [hbm4b:s6+s30], $0x2000, $0x38;
	[tilespmem:$0x1FC00] =	vst v63  }
0x280: {  	s18 =	smov.u32 s19;
	s19 =	smov.u32 s20;
	_ =	swait.ge @!p0 [sflag:s31], $0x2000  }
.Ltmp2:
0x281: {  	s20 =	smov.u32 s21;
	[sflag:s31] =	ssyncset.done @!p0 $0x0;
	(pc) =	sbr.rel @p3 .LBB2_4-.Ltmp2, $4  }
0x282: {  	s21 =	smov.u32 s22;
	s22 =	smov.u32 s23;
	[sflag:s31] =	ssyncadd.s32 @!p0 $0xFFFFE000  }
0x283: {  	[hbm4b:s5+s30] =	stream.linear.scatter @!p0 [tilespmem:s30], [sflag:$0x1], $0x2000, $0x38;
	[tilespmem:$0x1FC00] =	vst v63  }
0x284: {  	s23 =	smov.u32 s24;
	s24 =	smov.u32 s25;
	_ =	swait.ge @!p0 [sflag:s31], $0x2000  }
0x285: {  	s25 =	smov.u32 s0;
	s2 =	rddreg [dreg:$0x5];
	[sflag:s31] =	ssyncset.done @!p0 $0x0  }
0x286: {  	s26 =	rddreg [dreg:$0x2]  }
0x287: {  	s29 =	smov.u32 s4;
	s28 =	stileid.u32;
	s30 =	sld [smem:$0x7EC]  }
.LBB2_6:
0x288: {  	p2 =	por p0, !p2  }
0x289: {  	[sflag:s31] =	ssyncadd.s32 @!p2 $0xFFFFE000  }
0x28a: {  	[tilespmem:s3], [sflag:$0x1] =	stream.linear.gather [hbm4b:s2+s3], $0x1F800, $0x38;
	[tilespmem:$0x1FC00] =	vst v63  }
0x28b: {  	_ =	swait.ge [sflag:s10], $0x1F800  }
0x28c: {  	[sflag:s10] =	ssyncset.done $0x0  }
0x28d: {  	s0 =	rddreg [dreg:$0x6];
	[sflag:s10] =	ssyncadd.s32 $0xFFFE0800  }
0x28e: {  	[hbm4b:s0+s3] =	stream.linear.scatter [tilespmem:s3], [sflag:$0x1], $0x1F800, $0x38;
	[tilespmem:$0x1FC00] =	vst v63  }
0x28f: {  	_ =	swait.ge [sflag:s10], $0x1F800  }
0x290: {  	[sflag:s10] =	ssyncset.done $0x0  }
0x291: {  	s4 =	rddreg [dreg:$0x7];
	[sflag:s10] =	ssyncadd.s32 $0xFFFE0800  }
0x292: {  	[tilespmem:s3], [sflag:$0x1] =	stream.linear.gather [hbm4b:s4+s3], $0x1F800, $0x38;
	[tilespmem:$0x1FC00] =	vst v63  }
0x293: {  	_ =	swait.ge [sflag:s10], $0x1F800  }
0x294: {  	[sflag:s10] =	ssyncset.done $0x0  }
0x295: {  	s31 =	rddreg [dreg:$0x8];
	[sflag:s10] =	ssyncadd.s32 $0xFFFE0800  }
0x296: {  	[hbm4b:s31+s3] =	stream.linear.scatter [tilespmem:s3], [sflag:$0x1], $0x1F800, $0x38;
	[tilespmem:$0x1FC00] =	vst v63  }
0x297: {  	_ =	swait.ge [sflag:s10], $0x1F800  }
0x298: {  	[sflag:s10] =	ssyncset.done $0x0  }
0x299: {  	s1 =	rddreg [dreg:$0x9];
	[sflag:s10] =	ssyncadd.s32 $0xFFFE0800  }
0x29a: {  	[tilespmem:s3], [sflag:$0x1] =	stream.linear.gather [hbm4b:s1+s3], $0x1F800, $0x38;
	[tilespmem:$0x1FC00] =	vst v63  }
0x29b: {  	_ =	swait.ge [sflag:s10], $0x1F800  }
0x29c: {  	[sflag:s10] =	ssyncset.done $0x0  }
0x29d: {  	s2 =	rddreg [dreg:$0xa];
	[sflag:s10] =	ssyncadd.s32 $0xFFFE0800  }
0x29e: {  	[hbm4b:s2+s3] =	stream.linear.scatter [tilespmem:s3], [sflag:$0x1], $0x1F800, $0x38;
	[tilespmem:$0x1FC00] =	vst v63  }
0x29f: {  	_ =	swait.ge [sflag:s10], $0x1F800  }
0x2a0: {  	[sflag:s10] =	ssyncset.done $0x0  }
0x2a1: {  	s4 =	rddreg [dreg:$0xb];
	[sflag:s10] =	ssyncadd.s32 $0xFFFE0800  }
0x2a2: {  	[tilespmem:s3], [sflag:$0x1] =	stream.linear.gather [hbm4b:s4+s3], $0x1F800, $0x38;
	[tilespmem:$0x1FC00] =	vst v63  }
0x2a3: {  	_ =	swait.ge [sflag:s10], $0x1F800  }
0x2a4: {  	[sflag:s10] =	ssyncset.done $0x0  }
0x2a5: {  	s31 =	rddreg [dreg:$0xc];
	[sflag:s10] =	ssyncadd.s32 $0xFFFE0800  }
0x2a6: {  	[hbm4b:s31+s3] =	stream.linear.scatter [tilespmem:s3], [sflag:$0x1], $0x1F800, $0x38;
	[tilespmem:$0x1FC00] =	vst v63  }
0x2a7: {  	_ =	swait.ge [sflag:s10], $0x1F800  }
0x2a8: {  	[sflag:s10] =	ssyncset.done $0x0  }
0x2a9: {  	s1 =	rddreg [dreg:$0xd];
	[sflag:s10] =	ssyncadd.s32 $0xFFFE0800  }
0x2aa: {  	[tilespmem:s3], [sflag:$0x1] =	stream.linear.gather [hbm4b:s1+s3], $0x1F800, $0x38;
	[tilespmem:$0x1FC00] =	vst v63  }
0x2ab: {  	_ =	swait.ge [sflag:s10], $0x1F800  }
0x2ac: {  	[sflag:s10] =	ssyncset.done $0x0  }
0x2ad: {  	s2 =	rddreg [dreg:$0xe];
	[sflag:s10] =	ssyncadd.s32 $0xFFFE0800  }
0x2ae: {  	[hbm4b:s2+s3] =	stream.linear.scatter [tilespmem:s3], [sflag:$0x1], $0x1F800, $0x38;
	[tilespmem:$0x1FC00] =	vst v63  }
0x2af: {  	_ =	swait.ge [sflag:s10], $0x1F800  }
0x2b0: {  	[sflag:s10] =	ssyncset.done $0x0  }
0x2b1: {  	s4 =	rddreg [dreg:$0xf];
	[sflag:s10] =	ssyncadd.s32 $0xFFFE0800  }
0x2b2: {  	[tilespmem:s3], [sflag:$0x1] =	stream.linear.gather [hbm4b:s4+s3], $0x1F800, $0x38;
	[tilespmem:$0x1FC00] =	vst v63  }
0x2b3: {  	_ =	swait.ge [sflag:s10], $0x1F800  }
0x2b4: {  	[sflag:s10] =	ssyncset.done $0x0  }
0x2b5: {  	s31 =	rddreg [dreg:$0x10];
	[sflag:s10] =	ssyncadd.s32 $0xFFFE0800  }
0x2b6: {  	[hbm4b:s31+s3] =	stream.linear.scatter [tilespmem:s3], [sflag:$0x1], $0x1F800, $0x38;
	[tilespmem:$0x1FC00] =	vst v63  }
0x2b7: {  	_ =	swait.ge [sflag:s10], $0x1F800  }
0x2b8: {  	[sflag:s10] =	ssyncset.done $0x0  }
0x2b9: {  	s1 =	rddreg [dreg:$0x11];
	[sflag:s10] =	ssyncadd.s32 $0xFFFE0800  }
0x2ba: {  	[tilespmem:s3], [sflag:$0x1] =	stream.linear.gather [hbm4b:s1+s3], $0x1F800, $0x38;
	[tilespmem:$0x1FC00] =	vst v63  }
0x2bb: {  	_ =	swait.ge [sflag:s10], $0x1F800  }
0x2bc: {  	[sflag:s10] =	ssyncset.done $0x0  }
0x2bd: {  	s2 =	rddreg [dreg:$0x12];
	[sflag:s10] =	ssyncadd.s32 $0xFFFE0800  }
0x2be: {  	[hbm4b:s2+s3] =	stream.linear.scatter [tilespmem:s3], [sflag:$0x1], $0x1F800, $0x38;
	[tilespmem:$0x1FC00] =	vst v63  }
0x2bf: {  	_ =	swait.ge [sflag:s10], $0x1F800  }
0x2c0: {  	[sflag:s10] =	ssyncset.done $0x0  }
0x2c1: {  	s4 =	rddreg [dreg:$0x13];
	[sflag:s10] =	ssyncadd.s32 $0xFFFE0800  }
0x2c2: {  	[tilespmem:s3], [sflag:$0x1] =	stream.linear.gather [hbm4b:s4+s3], $0x1F800, $0x38;
	[tilespmem:$0x1FC00] =	vst v63  }
0x2c3: {  	_ =	swait.ge [sflag:s10], $0x1F800  }
0x2c4: {  	[sflag:s10] =	ssyncset.done $0x0  }
0x2c5: {  	s31 =	rddreg [dreg:$0x14];
	[sflag:s10] =	ssyncadd.s32 $0xFFFE0800  }
0x2c6: {  	[hbm4b:s31+s3] =	stream.linear.scatter [tilespmem:s3], [sflag:$0x1], $0x1F800, $0x38;
	[tilespmem:$0x1FC00] =	vst v63  }
0x2c7: {  	_ =	swait.ge [sflag:s10], $0x1F800  }
0x2c8: {  	[sflag:s10] =	ssyncset.done $0x0  }
0x2c9: {  	s1 =	rddreg [dreg:$0x15];
	[sflag:s10] =	ssyncadd.s32 $0xFFFE0800  }
0x2ca: {  	[tilespmem:s3], [sflag:$0x1] =	stream.linear.gather [hbm4b:s1+s3], $0x1F800, $0x38;
	[tilespmem:$0x1FC00] =	vst v63  }
0x2cb: {  	_ =	swait.ge [sflag:s10], $0x1F800  }
0x2cc: {  	[sflag:s10] =	ssyncset.done $0x0  }
0x2cd: {  	s2 =	rddreg [dreg:$0x16];
	[sflag:s10] =	ssyncadd.s32 $0xFFFE0800  }
0x2ce: {  	[hbm4b:s2+s3] =	stream.linear.scatter [tilespmem:s3], [sflag:$0x1], $0x1F800, $0x38;
	[tilespmem:$0x1FC00] =	vst v63  }
0x2cf: {  	_ =	swait.ge [sflag:s10], $0x1F800  }
0x2d0: {  	[sflag:s10] =	ssyncset.done $0x0  }
0x2d1: {  	s4 =	rddreg [dreg:$0x17];
	[sflag:s10] =	ssyncadd.s32 $0xFFFE0800  }
0x2d2: {  	[tilespmem:s3], [sflag:$0x1] =	stream.linear.gather [hbm4b:s4+s3], $0x1F800, $0x38;
	[tilespmem:$0x1FC00] =	vst v63  }
0x2d3: {  	_ =	swait.ge [sflag:s10], $0x1F800  }
0x2d4: {  	[sflag:s10] =	ssyncset.done $0x0  }
0x2d5: {  	s31 =	rddreg [dreg:$0x18];
	[sflag:s10] =	ssyncadd.s32 $0xFFFE0800  }
0x2d6: {  	[hbm4b:s31+s3] =	stream.linear.scatter [tilespmem:s3], [sflag:$0x1], $0x1F800, $0x38;
	[tilespmem:$0x1FC00] =	vst v63  }
0x2d7: {  	_ =	swait.ge [sflag:s10], $0x1F800  }
0x2d8: {  	[sflag:s10] =	ssyncset.done $0x0  }
0x2d9: {  	s1 =	rddreg [dreg:$0x19];
	[sflag:s10] =	ssyncadd.s32 $0xFFFE0800  }
0x2da: {  	[tilespmem:s3], [sflag:$0x1] =	stream.linear.gather [hbm4b:s1+s3], $0x1F800, $0x38;
	[tilespmem:$0x1FC00] =	vst v63  }
0x2db: {  	_ =	swait.ge [sflag:s10], $0x1F800  }
0x2dc: {  	[sflag:s10] =	ssyncset.done $0x0  }
0x2dd: {  	s2 =	rddreg [dreg:$0x1a];
	[sflag:s10] =	ssyncadd.s32 $0xFFFE0800  }
0x2de: {  	[hbm4b:s2+s3] =	stream.linear.scatter [tilespmem:s3], [sflag:$0x1], $0x1F800, $0x38;
	[tilespmem:$0x1FC00] =	vst v63  }
0x2df: {  	_ =	swait.ge [sflag:s10], $0x1F800  }
0x2e0: {  	[sflag:s10] =	ssyncset.done $0x0  }
0x2e1: {  	s4 =	rddreg [dreg:$0x1b];
	[sflag:s10] =	ssyncadd.s32 $0xFFFE0800  }
0x2e2: {  	[tilespmem:s3], [sflag:$0x1] =	stream.linear.gather [hbm4b:s4+s3], $0x1F800, $0x38;
	[tilespmem:$0x1FC00] =	vst v63  }
0x2e3: {  	_ =	swait.ge [sflag:s10], $0x1F800  }
0x2e4: {  	[sflag:s10] =	ssyncset.done $0x0  }
0x2e5: {  	s31 =	rddreg [dreg:$0x1c];
	[sflag:s10] =	ssyncadd.s32 $0xFFFE0800  }
0x2e6: {  	[hbm4b:s31+s3] =	stream.linear.scatter [tilespmem:s3], [sflag:$0x1], $0x1F800, $0x38;
	[tilespmem:$0x1FC00] =	vst v63  }
0x2e7: {  	_ =	swait.ge [sflag:s10], $0x1F800  }
0x2e8: {  	[sflag:s10] =	ssyncset.done $0x0  }
0x2e9: {  	s1 =	rddreg [dreg:$0x1d];
	[sflag:s10] =	ssyncadd.s32 $0xFFFE0800  }
0x2ea: {  	[tilespmem:s3], [sflag:$0x1] =	stream.linear.gather [hbm4b:s1+s3], $0x1F800, $0x38;
	[tilespmem:$0x1FC00] =	vst v63  }
0x2eb: {  	_ =	swait.ge [sflag:s10], $0x1F800  }
0x2ec: {  	[sflag:s10] =	ssyncset.done $0x0  }
0x2ed: {  	s2 =	rddreg [dreg:$0x1e];
	[sflag:s10] =	ssyncadd.s32 $0xFFFE0800  }
0x2ee: {  	[hbm4b:s2+s3] =	stream.linear.scatter [tilespmem:s3], [sflag:$0x1], $0x1F800, $0x38;
	[tilespmem:$0x1FC00] =	vst v63  }
0x2ef: {  	_ =	swait.ge [sflag:s10], $0x1F800  }
0x2f0: {  	[sflag:s10] =	ssyncset.done $0x0  }
0x2f1: {  	s4 =	rddreg [dreg:$0x1f];
	[sflag:s10] =	ssyncadd.s32 $0xFFFE0800  }
0x2f2: {  	[tilespmem:s3], [sflag:$0x1] =	stream.linear.gather [hbm4b:s4+s3], $0x1F800, $0x38;
	[tilespmem:$0x1FC00] =	vst v63  }
0x2f3: {  	_ =	swait.ge [sflag:s10], $0x1F800  }
0x2f4: {  	s31 =	sld [smem:$0x7ED]  }
0x2f5: {  	[sflag:s10] =	ssyncset.done $0x0  }
0x2f6: {  	[sflag:s10] =	ssyncadd.s32 $0xFFFE0800  }
0x2f7: {  	[hbm4b:s31+s3] =	stream.linear.scatter [tilespmem:s3], [sflag:$0x1], $0x1F800, $0x38;
	[tilespmem:$0x1FC00] =	vst v63  }
0x2f8: {  	_ =	swait.ge [sflag:s10], $0x1F800  }
0x2f9: {  	s1 =	sld [smem:$0x7EE]  }
0x2fa: {  	[sflag:s10] =	ssyncset.done $0x0  }
0x2fb: {  	[sflag:s10] =	ssyncadd.s32 $0xFFFE0800  }
0x2fc: {  	[tilespmem:s3], [sflag:$0x1] =	stream.linear.gather [hbm4b:s1+s3], $0x1F800, $0x38;
	[tilespmem:$0x1FC00] =	vst v63  }
0x2fd: {  	_ =	swait.ge [sflag:s10], $0x1F800  }
0x2fe: {  	s2 =	sld [smem:$0x7EF]  }
0x2ff: {  	[sflag:s10] =	ssyncset.done $0x0  }
0x300: {  	[sflag:s10] =	ssyncadd.s32 $0xFFFE0800  }
0x301: {  	[hbm4b:s2+s3] =	stream.linear.scatter [tilespmem:s3], [sflag:$0x1], $0x1F800, $0x38;
	[tilespmem:$0x1FC00] =	vst v63  }
0x302: {  	_ =	swait.ge [sflag:s10], $0x1F800  }
0x303: {  	s4 =	sld [smem:$0x7F0]  }
0x304: {  	[sflag:s10] =	ssyncset.done $0x0  }
0x305: {  	[sflag:s10] =	ssyncadd.s32 $0xFFFE0800  }
0x306: {  	[tilespmem:s3], [sflag:$0x1] =	stream.linear.gather [hbm4b:s4+s3], $0x1F800, $0x38;
	[tilespmem:$0x1FC00] =	vst v63  }
0x307: {  	_ =	swait.ge [sflag:s10], $0x1F800  }
0x308: {  	s31 =	sld [smem:$0x7F1]  }
0x309: {  	[sflag:s10] =	ssyncset.done $0x0  }
0x30a: {  	[sflag:s10] =	ssyncadd.s32 $0xFFFE0800  }
0x30b: {  	[hbm4b:s31+s3] =	stream.linear.scatter [tilespmem:s3], [sflag:$0x1], $0x1F800, $0x38;
	[tilespmem:$0x1FC00] =	vst v63  }
0x30c: {  	_ =	swait.ge [sflag:s10], $0x1F800  }
0x30d: {  	s1 =	sld [smem:$0x7F2]  }
0x30e: {  	[sflag:s10] =	ssyncset.done $0x0  }
0x30f: {  	[sflag:s10] =	ssyncadd.s32 $0xFFFE0800  }
0x310: {  	[tilespmem:s3], [sflag:$0x1] =	stream.linear.gather [hbm4b:s1+s3], $0x1F800, $0x38;
	[tilespmem:$0x1FC00] =	vst v63  }
0x311: {  	_ =	swait.ge [sflag:s10], $0x1F800  }
0x312: {  	s2 =	sld [smem:$0x7F3]  }
0x313: {  	[sflag:s10] =	ssyncset.done $0x0  }
0x314: {  	[sflag:s10] =	ssyncadd.s32 $0xFFFE0800  }
0x315: {  	[hbm4b:s2+s3] =	stream.linear.scatter [tilespmem:s3], [sflag:$0x1], $0x1F800, $0x38;
	[tilespmem:$0x1FC00] =	vst v63  }
0x316: {  	_ =	swait.ge [sflag:s10], $0x1F800  }
0x317: {  	s4 =	sld [smem:$0x7F4]  }
0x318: {  	[sflag:s10] =	ssyncset.done $0x0  }
0x319: {  	[sflag:s10] =	ssyncadd.s32 $0xFFFE0800  }
0x31a: {  	[tilespmem:s3], [sflag:$0x1] =	stream.linear.gather [hbm4b:s4+s3], $0x1F800, $0x38;
	[tilespmem:$0x1FC00] =	vst v63  }
0x31b: {  	_ =	swait.ge [sflag:s10], $0x1F800  }
0x31c: {  	s31 =	sld [smem:$0x7F5]  }
0x31d: {  	[sflag:s10] =	ssyncset.done $0x0  }
0x31e: {  	[sflag:s10] =	ssyncadd.s32 $0xFFFE0800  }
0x31f: {  	[hbm4b:s31+s3] =	stream.linear.scatter [tilespmem:s3], [sflag:$0x1], $0x1F800, $0x38;
	[tilespmem:$0x1FC00] =	vst v63  }
0x320: {  	_ =	swait.ge [sflag:s10], $0x1F800  }
0x321: {  	s1 =	sld [smem:$0x7F6]  }
0x322: {  	[sflag:s10] =	ssyncset.done $0x0  }
0x323: {  	[sflag:s10] =	ssyncadd.s32 $0xFFFE0800  }
0x324: {  	[tilespmem:s3], [sflag:$0x1] =	stream.linear.gather [hbm4b:s1+s3], $0x1F800, $0x38;
	[tilespmem:$0x1FC00] =	vst v63  }
0x325: {  	_ =	swait.ge [sflag:s10], $0x1F800  }
0x326: {  	s2 =	sld [smem:$0x7F7]  }
0x327: {  	[sflag:s10] =	ssyncset.done $0x0  }
0x328: {  	[sflag:s10] =	ssyncadd.s32 $0xFFFE0800  }
0x329: {  	[hbm4b:s2+s3] =	stream.linear.scatter [tilespmem:s3], [sflag:$0x1], $0x1F800, $0x38;
	[tilespmem:$0x1FC00] =	vst v63  }
0x32a: {  	_ =	swait.ge [sflag:s10], $0x1F800  }
0x32b: {  	s4 =	sld [smem:$0x7F8]  }
0x32c: {  	[sflag:s10] =	ssyncset.done $0x0  }
0x32d: {  	[sflag:s10] =	ssyncadd.s32 $0xFFFE0800  }
0x32e: {  	[tilespmem:s3], [sflag:$0x1] =	stream.linear.gather [hbm4b:s4+s3], $0x1F800, $0x38;
	[tilespmem:$0x1FC00] =	vst v63  }
0x32f: {  	_ =	swait.ge [sflag:s10], $0x1F800  }
0x330: {  	s31 =	sld [smem:$0x7F9]  }
0x331: {  	[sflag:s10] =	ssyncset.done $0x0  }
0x332: {  	[sflag:s10] =	ssyncadd.s32 $0xFFFE0800  }
0x333: {  	[hbm4b:s31+s3] =	stream.linear.scatter [tilespmem:s3], [sflag:$0x1], $0x1F800, $0x38;
	[tilespmem:$0x1FC00] =	vst v63  }
0x334: {  	_ =	swait.ge [sflag:s10], $0x1F800  }
0x335: {  	s1 =	sld [smem:$0x7FA]  }
0x336: {  	[sflag:s10] =	ssyncset.done $0x0  }
0x337: {  	[sflag:s10] =	ssyncadd.s32 $0xFFFE0800  }
0x338: {  	[tilespmem:s3], [sflag:$0x1] =	stream.linear.gather [hbm4b:s1+s3], $0x1F800, $0x38;
	[tilespmem:$0x1FC00] =	vst v63  }
0x339: {  	_ =	swait.ge [sflag:s10], $0x1F800  }
0x33a: {  	s2 =	sld [smem:$0x7FB]  }
0x33b: {  	[sflag:s10] =	ssyncset.done $0x0  }
0x33c: {  	[sflag:s10] =	ssyncadd.s32 $0xFFFE0800  }
0x33d: {  	[hbm4b:s2+s3] =	stream.linear.scatter [tilespmem:s3], [sflag:$0x1], $0x1F800, $0x38;
	[tilespmem:$0x1FC00] =	vst v63  }
0x33e: {  	_ =	swait.ge [sflag:s10], $0x1F800  }
0x33f: {  	s4 =	sld [smem:$0x7FC]  }
0x340: {  	[sflag:s10] =	ssyncset.done $0x0  }
0x341: {  	[sflag:s10] =	ssyncadd.s32 $0xFFFE0800  }
0x342: {  	[tilespmem:s3], [sflag:$0x1] =	stream.linear.gather [hbm4b:s4+s3], $0x1F800, $0x38;
	[tilespmem:$0x1FC00] =	vst v63  }
0x343: {  	_ =	swait.ge [sflag:s10], $0x1F800  }
0x344: {  	s31 =	sld [smem:$0x7FD]  }
0x345: {  	[sflag:s10] =	ssyncset.done $0x0  }
0x346: {  	[sflag:s10] =	ssyncadd.s32 $0xFFFE0800  }
0x347: {  	[hbm4b:s31+s3] =	stream.linear.scatter [tilespmem:s3], [sflag:$0x1], $0x1F800, $0x38;
	[tilespmem:$0x1FC00] =	vst v63  }
0x348: {  	_ =	swait.ge [sflag:s10], $0x1F800  }
0x349: {  	[sflag:s10] =	ssyncset.done $0x0  }
0x34a: {  	[sflag:s10] =	ssyncadd.s32 $0xFFFE0800  }
0x34b: {  	[tilespmem:s3], [sflag:$0x1] =	stream.linear.gather [hbm4b:s25+s3], $0x1F800, $0x38;
	[tilespmem:$0x1FC00] =	vst v63  }
0x34c: {  	_ =	swait.ge [sflag:s10], $0x1F800  }
0x34d: {  	[sflag:s10] =	ssyncset.done $0x0  }
0x34e: {  	[sflag:s10] =	ssyncadd.s32 $0xFFFE0800  }
0x34f: {  	[hbm4b:s24+s3] =	stream.linear.scatter [tilespmem:s3], [sflag:$0x1], $0x1F800, $0x38;
	[tilespmem:$0x1FC00] =	vst v63  }
0x350: {  	_ =	swait.ge [sflag:s10], $0x1F800  }
0x351: {  	[sflag:s10] =	ssyncset.done $0x0  }
0x352: {  	[sflag:s10] =	ssyncadd.s32 $0xFFFE0800  }
0x353: {  	[tilespmem:s3], [sflag:$0x1] =	stream.linear.gather [hbm4b:s23+s3], $0x1F800, $0x38;
	[tilespmem:$0x1FC00] =	vst v63  }
0x354: {  	_ =	swait.ge [sflag:s10], $0x1F800  }
0x355: {  	[sflag:s10] =	ssyncset.done $0x0  }
0x356: {  	[sflag:s10] =	ssyncadd.s32 $0xFFFE0800  }
0x357: {  	[hbm4b:s22+s3] =	stream.linear.scatter [tilespmem:s3], [sflag:$0x1], $0x1F800, $0x38;
	[tilespmem:$0x1FC00] =	vst v63  }
0x358: {  	_ =	swait.ge [sflag:s10], $0x1F800  }
0x359: {  	[sflag:s10] =	ssyncset.done $0x0  }
0x35a: {  	[sflag:s10] =	ssyncadd.s32 $0xFFFE0800  }
0x35b: {  	[tilespmem:s3], [sflag:$0x1] =	stream.linear.gather [hbm4b:s21+s3], $0x1F800, $0x38;
	[tilespmem:$0x1FC00] =	vst v63  }
0x35c: {  	_ =	swait.ge [sflag:s10], $0x1F800  }
0x35d: {  	[sflag:s10] =	ssyncset.done $0x0  }
0x35e: {  	[sflag:s10] =	ssyncadd.s32 $0xFFFE0800  }
0x35f: {  	[hbm4b:s20+s3] =	stream.linear.scatter [tilespmem:s3], [sflag:$0x1], $0x1F800, $0x38;
	[tilespmem:$0x1FC00] =	vst v63  }
0x360: {  	_ =	swait.ge [sflag:s10], $0x1F800  }
0x361: {  	[sflag:s10] =	ssyncset.done $0x0  }
0x362: {  	[sflag:s10] =	ssyncadd.s32 $0xFFFE0800  }
0x363: {  	[tilespmem:s3], [sflag:$0x1] =	stream.linear.gather [hbm4b:s19+s3], $0x1F800, $0x38;
	[tilespmem:$0x1FC00] =	vst v63  }
0x364: {  	_ =	swait.ge [sflag:s10], $0x1F800  }
0x365: {  	[sflag:s10] =	ssyncset.done $0x0  }
0x366: {  	[sflag:s10] =	ssyncadd.s32 $0xFFFE0800  }
0x367: {  	[hbm4b:s18+s3] =	stream.linear.scatter [tilespmem:s3], [sflag:$0x1], $0x1F800, $0x38;
	[tilespmem:$0x1FC00] =	vst v63  }
0x368: {  	_ =	swait.ge [sflag:s10], $0x1F800  }
0x369: {  	[sflag:s10] =	ssyncset.done $0x0  }
0x36a: {  	[sflag:s10] =	ssyncadd.s32 $0xFFFE0800  }
0x36b: {  	[tilespmem:s3], [sflag:$0x1] =	stream.linear.gather [hbm4b:s17+s3], $0x1F800, $0x38;
	[tilespmem:$0x1FC00] =	vst v63  }
0x36c: {  	_ =	swait.ge [sflag:s10], $0x1F800  }
0x36d: {  	[sflag:s10] =	ssyncset.done $0x0  }
0x36e: {  	[sflag:s10] =	ssyncadd.s32 $0xFFFE0800  }
0x36f: {  	[hbm4b:s16+s3] =	stream.linear.scatter [tilespmem:s3], [sflag:$0x1], $0x1F800, $0x38;
	[tilespmem:$0x1FC00] =	vst v63  }
0x370: {  	_ =	swait.ge [sflag:s10], $0x1F800  }
0x371: {  	[sflag:s10] =	ssyncset.done $0x0  }
0x372: {  	[sflag:s10] =	ssyncadd.s32 $0xFFFE0800  }
0x373: {  	[tilespmem:s3], [sflag:$0x1] =	stream.linear.gather [hbm4b:s15+s3], $0x1F800, $0x38;
	[tilespmem:$0x1FC00] =	vst v63  }
0x374: {  	_ =	swait.ge [sflag:s10], $0x1F800  }
0x375: {  	[sflag:s10] =	ssyncset.done $0x0  }
0x376: {  	[sflag:s10] =	ssyncadd.s32 $0xFFFE0800  }
0x377: {  	[hbm4b:s14+s3] =	stream.linear.scatter [tilespmem:s3], [sflag:$0x1], $0x1F800, $0x38;
	[tilespmem:$0x1FC00] =	vst v63  }
0x378: {  	_ =	swait.ge [sflag:s10], $0x1F800  }
0x379: {  	[sflag:s10] =	ssyncset.done $0x0  }
0x37a: {  	[sflag:s10] =	ssyncadd.s32 $0xFFFE0800  }
0x37b: {  	[tilespmem:s3], [sflag:$0x1] =	stream.linear.gather [hbm4b:s13+s3], $0x1F800, $0x38;
	[tilespmem:$0x1FC00] =	vst v63  }
0x37c: {  	_ =	swait.ge [sflag:s10], $0x1F800  }
0x37d: {  	[sflag:s10] =	ssyncset.done $0x0  }
0x37e: {  	[sflag:s10] =	ssyncadd.s32 $0xFFFE0800  }
0x37f: {  	[hbm4b:s12+s3] =	stream.linear.scatter [tilespmem:s3], [sflag:$0x1], $0x1F800, $0x38;
	[tilespmem:$0x1FC00] =	vst v63  }
0x380: {  	_ =	swait.ge [sflag:s10], $0x1F800  }
0x381: {  	[sflag:s10] =	ssyncset.done $0x0  }
0x382: {  	[sflag:s10] =	ssyncadd.s32 $0xFFFE0800  }
0x383: {  	[tilespmem:s3], [sflag:$0x1] =	stream.linear.gather [hbm4b:s11+s3], $0x1F800, $0x38;
	[tilespmem:$0x1FC00] =	vst v63  }
0x384: {  	_ =	swait.ge [sflag:s10], $0x1F800  }
0x385: {  	[sflag:s10] =	ssyncset.done $0x0  }
0x386: {  	[sflag:s10] =	ssyncadd.s32 $0xFFFE0800  }
0x387: {  	[hbm4b:s9+s3] =	stream.linear.scatter [tilespmem:s3], [sflag:$0x1], $0x1F800, $0x38;
	[tilespmem:$0x1FC00] =	vst v63  }
0x388: {  	_ =	swait.ge [sflag:s10], $0x1F800  }
0x389: {  	[sflag:s10] =	ssyncset.done $0x0  }
0x38a: {  	[sflag:s10] =	ssyncadd.s32 $0xFFFE0800  }
0x38b: {  	[tilespmem:s3], [sflag:$0x1] =	stream.linear.gather [hbm4b:s8+s3], $0x1F800, $0x38;
	[tilespmem:$0x1FC00] =	vst v63  }
0x38c: {  	_ =	swait.ge [sflag:s10], $0x1F800  }
0x38d: {  	[sflag:s10] =	ssyncset.done $0x0  }
0x38e: {  	[sflag:s10] =	ssyncadd.s32 $0xFFFE0800  }
0x38f: {  	[hbm4b:s7+s3] =	stream.linear.scatter [tilespmem:s3], [sflag:$0x1], $0x1F800, $0x38;
	[tilespmem:$0x1FC00] =	vst v63  }
0x390: {  	_ =	swait.ge [sflag:s10], $0x1F800  }
0x391: {  	s0 =	simm.s32 @p1 $0x1;
	[sflag:s10] =	ssyncset.done $0x0  }
0x392: {  	s1 =	simm.s32 @p1 $0x0;
	s2 =	simm.s32 @p1 $0x1F800;
	[sflag:s10] =	ssyncadd.s32 $0xFFFE0800  }
0x393: {  	[tilespmem:s2], [sflag:$0x1] =	stream.linear.gather @p1 [hbm4b:s30+s1], $0x400, $0x38;
	[tilespmem:$0x1FC00] =	vst v63  }
0x394: {  	_ =	swait.ge @p1 [sflag:s0], $0x400  }
0x395: {  	[sflag:s0] =	ssyncset.done @p1 $0x0  }
0x396: {  	s3 =	rddreg [dreg:$0x3];
	[sflag:s0] =	ssyncadd.s32 @p1 $0xFFFFFC00  }
0x397: {  	[tilespmem:s2], [sflag:$0x1] =	stream.linear.gather @p1 [hbm4b:s3+s1], $0x80, $0x38;
	[tilespmem:$0x1FC00] =	vst v63  }
0x398: {  	_ =	swait.ge @p1 [sflag:s0], $0x80  }
0x399: {  	[sflag:s0] =	ssyncset.done @p1 $0x0  }
0x39a: {  	s4 =	simm.s32 @p1 $0x1F900;
	s3 =	rddreg [dreg:$0x4];
	[sflag:s0] =	ssyncadd.s32 @p1 $0xFFFFFF80  }
0x39b: {  	[tilespmem:s4], [sflag:$0x1] =	stream.linear.gather @p1 [hbm4b:s3+s1], $0x80, $0x38;
	[tilespmem:$0x1FC00] =	vst v63  }
0x39c: {  	_ =	swait.ge @p1 [sflag:s0], $0x80  }
0x39d: {  	[sflag:s0] =	ssyncset.done @p1 $0x0  }
0x39e: {  	[sflag:s0] =	ssyncadd.s32 @p1 $0xFFFFFF80  }
0x39f: {  	[hbm4b:s29+s1] =	stream.linear.scatter @p1 [tilespmem:s2], [sflag:$0x1], $0x400, $0x38;
	[tilespmem:$0x1FC00] =	vst v63  }
0x3a0: {  	_ =	swait.ge @p1 [sflag:s0], $0x400  }
0x3a1: {  	[sflag:s0] =	ssyncset.done @p1 $0x0  }
0x3a2: {  	s1 =	simm.s32 @!p0 $0x1;
	[sflag:s0] =	ssyncadd.s32 @p1 $0xFFFFFC00;
	s0 =	simm.s32 @!p0 $0x0  }
0x3a3: {  	[tilespmem:s0], [sflag:$0x1] =	stream.linear.gather @!p0 [hbm4b:s6+s0], $0x2000, $0x38;
	[tilespmem:$0x1FC00] =	vst v63  }
0x3a4: {  	_ =	swait.ge @!p0 [sflag:s1], $0x2000  }
0x3a5: {  	[sflag:s1] =	ssyncset.done @!p0 $0x0  }
0x3a6: {  	[sflag:s1] =	ssyncadd.s32 @!p0 $0xFFFFE000  }
0x3a7: {  	[hbm4b:s5+s0] =	stream.linear.scatter @!p0 [tilespmem:s0], [sflag:$0x1], $0x2000, $0x38;
	[tilespmem:$0x1FC00] =	vst v63  }
0x3a8: {  	_ =	swait.ge @!p0 [sflag:s1], $0x2000  }
0x3a9: {  	[sflag:s1] =	ssyncset.done @!p0 $0x0  }
0x3aa: {  	[sflag:s1] =	ssyncadd.s32 @!p0 $0xFFFFE000  }
0x3ab: {  	_ =	sfence.sel $0x180000  }
0x3ac: {  	[bflag:$0x0] =	sbarrier.arrive $0xFFFF  }
0x3ad: {  	p0 =	sne.s32 s28, $0x0;
	_ =	strace $0x90000047  }
0x3ae: {  	s0 =	sadd.s32 @!p0 $0x100000, s26;
	[bflag:$0x2] =	sbarrier.arrive $0xFFFF  }
0x3af: {  	[sflag:s0] =	ssyncadd.tile.s32 @!p0 $0x1;
	_ =	shalt  }
.LBB2_1:
.Ltmp3:
0x3b0: {  	(pc) =	sbr.rel .LBB2_6-.Ltmp3, $2  }
0x3b1: {  	_ =	sdelay $0x2  }
0x3b2: {  	s29 =	smov.u32 s4  }
.LBB2_3:
.Ltmp4:
0x3b3: {  	(pc) =	sbr.rel .LBB2_6-.Ltmp4, $3  }
0x3b4: {  	_ =	sdelay $0x1  }
0x3b5: {  	s26 =	rddreg [dreg:$0x2]  }
0x3b6: {  	s29 =	smov.u32 s4;
	s28 =	stileid.u32;
	s30 =	sld [smem:$0x7EC]  }
.Lfunc_end2:
_tile_overlayer_lowered:
.L_overlay_start_2:
0x3b7: {  	(tag) =	ssettag $0x2  }
0x3b8: {  	s0 =	rddreg [dreg:$0x0];
	s2 =	stileid.u32  }
0x3b9: {  	s1 =	rddreg [dreg:$0x1];
	p0 =	sne.s32 s2, $0x0  }
0x3ba: {  	s3 =	rddreg [dreg:$0x2];
	[bflag:$0x3] =	sbarrier.arrive $0xFFFF;
	s2 =	simm.s32 @!p0 $0x1C01  }
0x3bb: {  	[timem:s3], [sflag:s2] =	dma.local @!p0 [hbm:s0], s1  }
0x3bc: {  	s0 =	simm.s32 @!p0 $0x1  }
0x3bd: {  	_ =	swait.ge @!p0 [sflag:s0], s1  }
0x3be: {  	s1 =	ssub.s32 @!p0 $0x0, s1;
	[sflag:s0] =	ssyncset.done @!p0 $0x0  }
0x3bf: {  	[sflag:s0] =	ssyncadd.s32 @!p0 s1  }
0x3c0: {  	[bflag:$0x3] =	sbarrier.arrive $0xFFFF  }
0x3c1: {  	_ =	shalt  }

</sc_bundles>
